<compile_context>
chip_gen: v7x
topology: tpu7x:2x2x1
jax: 0.10.2.dev20260603
libtpu: 0.0.44.dev20260713+nightly
codegen_flags: <defaults>
</compile_context>

<pallas_src>
import functools

import jax
import jax.numpy as jnp
from jax import lax
from jax.experimental import pallas as pl
from jax.experimental.pallas import tpu as pltpu
from jax.experimental.pallas import tpu_sc as plsc

N = 10000
E = 320000
D = 128
NC = 2
NS = 16
NW = NC * NS
CK = 128
CH = 80
EPW = CH * CK
EPAD = NW * EPW - E
PADROWS = 384
NA = N + PADROWS
RPT = 624
TAIL = N - NS * RPT
BCH = 16
NB = CH // BCH

_mesh = plsc.VectorSubcoreMesh(core_axis_name="c", subcore_axis_name="s",
                               num_cores=NC, num_subcores=NS)


@functools.partial(
    pl.kernel,
    out_type=jax.ShapeDtypeStruct((NC, N, D), jnp.float32),
    mesh=_mesh,
    scratch_types=[
        pltpu.VMEM_SHARED((NA, D), jnp.float32),
        pltpu.VMEM((CH, CK), jnp.int32),
        pltpu.VMEM((2, BCH, CK), jnp.int32),
        pltpu.VMEM((CK, D), jnp.float32),
        pltpu.VMEM((CK, D), jnp.float32),
        pltpu.SemaphoreType.DMA,
        pltpu.SemaphoreType.DMA,
    ],
)
def _sc_agg(x_hbm, src_hbm, dst_hbm, out_hbm, agg_sh, src_v, dstr, rows0,
            rows1, semg, semi):
    cid = lax.axis_index("c")
    sid = lax.axis_index("s")
    wid = sid * NC + cid
    rows_v = rows0
    rows = (rows0, rows1)

    pltpu.sync_copy(src_hbm.at[wid], src_v)

    zv = jnp.zeros((16,), jnp.float32)

    def _zrow(i, carry):
        for j in range(D // 16):
            rows_v[i, pl.ds(j * 16, 16)] = zv
        return carry

    lax.fori_loop(0, CK, _zrow, 0)
    base = sid * RPT
    for k in range(RPT // CK):
        pltpu.sync_copy(rows_v, agg_sh.at[pl.ds(base + k * CK, CK)])
    zrem = RPT - (RPT // CK) * CK
    pltpu.sync_copy(rows_v.at[pl.ds(0, zrem)],
                    agg_sh.at[pl.ds(base + RPT - zrem, zrem)])

    @pl.when(sid == 0)
    def _zero_tail():
        pltpu.sync_copy(rows_v.at[pl.ds(0, TAIL)],
                        agg_sh.at[pl.ds(NS * RPT, TAIL)])

    plsc.subcore_barrier()

    pltpu.async_copy(dst_hbm.at[wid, pl.ds(0, BCH)], dstr.at[0], semi)
    pltpu.async_copy(x_hbm.at[src_v.at[0]], rows0, semg)

    def _block(k, carry):
        p = lax.rem(k, 2)
        pltpu.make_async_copy(dst_hbm.at[wid, pl.ds(0, BCH)], dstr.at[p],
                              semi).wait()

        @pl.when(k + 1 < NB)
        def _stage_next():
            pltpu.async_copy(dst_hbm.at[wid, pl.ds((k + 1) * BCH, BCH)],
                             dstr.at[lax.rem(k + 1, 2)], semi)

        for m in range(BCH):
            j = k * BCH + m
            b = m & 1

            @pl.when(j + 1 < CH)
            def _start_next():
                pltpu.async_copy(x_hbm.at[src_v.at[j + 1]], rows[1 - b], semg)

            pltpu.make_async_copy(x_hbm.at[src_v.at[j]], rows[b], semg).wait()
            pltpu.sync_copy(rows[b], agg_sh.at[dstr.at[p, m]], add=True)
        return carry

    lax.fori_loop(0, NB, _block, 0)
    plsc.subcore_barrier()

    pltpu.sync_copy(agg_sh.at[pl.ds(base, RPT)],
                    out_hbm.at[cid, pl.ds(base, RPT)])

    @pl.when(sid == 0)
    def _write_tail():
        pltpu.sync_copy(agg_sh.at[pl.ds(NS * RPT, TAIL)],
                        out_hbm.at[cid, pl.ds(NS * RPT, TAIL)])


def _combine_body(x_ref, p_ref, n_ref, w1_ref, w2_ref, b1_ref, b2_ref, o_ref):
    ps = p_ref[...]
    ah = (ps[0] + ps[1]) / n_ref[...]
    dn = (((1,), (1,)), ((), ()))
    o_ref[...] = (
        lax.dot_general(x_ref[...], w1_ref[...], dn,
                        preferred_element_type=jnp.float32)
        + lax.dot_general(ah, w2_ref[...], dn,
                          preferred_element_type=jnp.float32)
        + b1_ref[...] + b2_ref[...]
    )


BN = 1000


def kernel(x, edge_index, in_norm, W1, b1, W2, b2):
    pad_src = jnp.arange(EPAD, dtype=jnp.int32) % N
    pad_dst = N + (jnp.arange(EPAD, dtype=jnp.int32) % PADROWS)
    src = jnp.concatenate([edge_index[0], pad_src]).reshape(NW, CH, CK)
    dst = jnp.concatenate([edge_index[1], pad_dst]).reshape(NW, CH, CK)
    partials = _sc_agg(x, src, dst)
    out = pl.pallas_call(
        _combine_body,
        grid=(N // BN,),
        in_specs=[
            pl.BlockSpec((BN, D), lambda i: (i, 0)),
            pl.BlockSpec((NC, BN, D), lambda i: (0, i, 0)),
            pl.BlockSpec((BN, 1), lambda i: (i, 0)),
            pl.BlockSpec((D, D), lambda i: (0, 0)),
            pl.BlockSpec((D, D), lambda i: (0, 0)),
            pl.BlockSpec((1, D), lambda i: (0, 0)),
            pl.BlockSpec((1, D), lambda i: (0, 0)),
        ],
        out_specs=pl.BlockSpec((BN, D), lambda i: (i, 0)),
        out_shape=jax.ShapeDtypeStruct((N, D), jnp.float32),
    )(x, partials, in_norm.reshape(N, 1), W1, W2,
      b1.reshape(1, D), b2.reshape(1, D))
    return out

# --- scband reference (transcript-rebuilt; emitter-appended) ---
"""Pipeline reference for scband-graph-sagelayer-22565758173848 (READ-ONLY COPY).

The authoritative reference and input builder live on the scoring server;
editing this copy changes nothing except your own understanding.
"""

import jax, jax.numpy as jnp
import numpy as np
import math

N = 10000
E = 320000
D_IN = 128
D_OUT = 128

def setup_inputs(seed: int = 0) -> dict:
    key = jax.random.key(seed)
    k1, k2, k3, k4, k5, k6, k7 = jax.random.split(key, 7)
    x = jax.random.normal(k1, (N, D_IN), dtype=jnp.float32)
    edge_index = jax.random.randint(k2, (2, E), 0, N, dtype=jnp.int32)
    in_norm = jax.random.uniform(k3, (N,), dtype=jnp.float32)
    stdv = 1.0 / math.sqrt(D_IN)
    W1 = jax.random.uniform(k4, (D_OUT, D_IN), minval=-stdv, maxval=stdv, dtype=jnp.float32)
    b1 = jax.random.uniform(k5, (D_OUT,), minval=-stdv, maxval=stdv, dtype=jnp.float32)
    W2 = jax.random.uniform(k6, (D_OUT, D_IN), minval=-stdv, maxval=stdv, dtype=jnp.float32)
    b2 = jax.random.uniform(k7, (D_OUT,), minval=-stdv, maxval=stdv, dtype=jnp.float32)
    return {"x": x, "edge_index": edge_index, "in_norm": in_norm, "W1": W1, "b1": b1, "W2": W2, "b2": b2}

def reference(x, edge_index, in_norm, W1, b1, W2, b2):
    # GraphSAGE mean-aggregation layer (use_pp=False path):
    #   h_v = sum_{u in N(v)} x_u ; ah = h / degs ; out = linear1(x) + linear2(ah)
    src = edge_index[0]
    dst = edge_index[1]
    msgs = jnp.take(x, src, axis=0)               # gather (copy_u)
    agg = jax.ops.segment_sum(msgs, dst, num_segments=x.shape[0])  # fn.sum scatter-add
    degs = in_norm[:, None]
    ah = agg / degs
    out = x @ W1.T + b1 + ah @ W2.T + b2
    return out

if __name__ == "__main__":
    import jax
    _d = setup_inputs()
    print(jax.jit(kernel)(*tuple(_d.values())))

</pallas_src>

<mosaic_0001>
#map = affine_map<(d0, d1) -> (0, 0)>
#map1 = affine_map<(d0, d1) -> (0, 0, 0)>
module attributes {stable_mosaic.version = 14 : i64} {
  func.func @_sc_agg(%arg0: i32, %arg1: i32, %arg2: memref<10000x128xf32, #tpu.memory_space<hbm>>, %arg3: memref<32x80x128xi32, #tpu.memory_space<hbm>>, %arg4: memref<32x80x128xi32, #tpu.memory_space<hbm>>, %arg5: memref<2x10000x128xf32, #tpu.memory_space<hbm>>, %arg6: memref<10384x128xf32, #tpu.memory_space<vmem_shared>>, %arg7: memref<80x128xi32, #tpu.memory_space<vmem>>, %arg8: memref<2x16x128xi32, #tpu.memory_space<vmem>>, %arg9: memref<128x128xf32, #tpu.memory_space<vmem>>, %arg10: memref<128x128xf32, #tpu.memory_space<vmem>>, %arg11: memref<!tpu.dma_semaphore, #tpu.memory_space<semaphore_mem>>, %arg12: memref<!tpu.dma_semaphore, #tpu.memory_space<semaphore_mem>>) attributes {dimension_semantics = [#tpu.dimension_semantics<core_parallel>, #tpu.dimension_semantics<subcore_parallel>], iteration_bounds = array<i64: 2, 16>, scalar_prefetch = 0 : i64, scratch_operands = 7 : i64, tpu.core_type = #tpu.core_type<sc_vector_subcore>, window_params = [{transform_indices = #map}, {transform_indices = #map1}, {transform_indices = #map1}, {transform_indices = #map1}]} {
    %mul3A = arith.constant 2 : i32
    %mul3A_0 = arith.muli %arg1, %mul3A : i32
    %add3A = arith.addi %mul3A_0, %arg0 : i32
    "tpu.region"() ({
      %run_scoped3A = tpu.sem_alloc : memref<!tpu.dma_semaphore, #tpu.memory_space<semaphore_mem>>
      %dma_start3A_57 = arith.constant 0 : i32
      %dma_start3A_58 = arith.constant 0 : i32
      %dma_start3A_59 = tpu.memref_slice %arg3[%add3A, %dma_start3A_57, %dma_start3A_58] : memref<32x80x128xi32, #tpu.memory_space<hbm>> -> memref<1x80x128xi32, #tpu.memory_space<hbm>>
      %dma_start3A_60 = tpu.memref_squeeze %dma_start3A_59 : memref<1x80x128xi32, #tpu.memory_space<hbm>> -> memref<80x128xi32, #tpu.memory_space<hbm>>
      %dma_start3A_61 = arith.constant 0 : i32
      %dma_start3A_62 = arith.constant 0 : i32
      %dma_start3A_63 = tpu.memref_slice %arg3[%add3A, %dma_start3A_61, %dma_start3A_62] : memref<32x80x128xi32, #tpu.memory_space<hbm>> -> memref<1x80x128xi32, #tpu.memory_space<hbm>>
      %dma_start3A_64 = tpu.memref_squeeze %dma_start3A_63 : memref<1x80x128xi32, #tpu.memory_space<hbm>> -> memref<80x128xi32, #tpu.memory_space<hbm>>
      tpu.enqueue_dma source(%dma_start3A_64 : memref<80x128xi32, #tpu.memory_space<hbm>>) target(%arg7 : memref<80x128xi32, #tpu.memory_space<vmem>>) target_semaphore(%run_scoped3A : memref<!tpu.dma_semaphore, #tpu.memory_space<semaphore_mem>>)
      %dma_wait3A = arith.constant 0 : i32
      %dma_wait3A_65 = arith.constant 0 : i32
      %dma_wait3A_66 = tpu.memref_slice %arg3[%add3A, %dma_wait3A, %dma_wait3A_65] : memref<32x80x128xi32, #tpu.memory_space<hbm>> -> memref<1x80x128xi32, #tpu.memory_space<hbm>>
      %dma_wait3A_67 = tpu.memref_squeeze %dma_wait3A_66 : memref<1x80x128xi32, #tpu.memory_space<hbm>> -> memref<80x128xi32, #tpu.memory_space<hbm>>
      %dma_wait3A_68 = arith.constant 0 : i32
      %dma_wait3A_69 = arith.constant 0 : i32
      %dma_wait3A_70 = tpu.memref_slice %arg3[%add3A, %dma_wait3A_68, %dma_wait3A_69] : memref<32x80x128xi32, #tpu.memory_space<hbm>> -> memref<1x80x128xi32, #tpu.memory_space<hbm>>
      %dma_wait3A_71 = tpu.memref_squeeze %dma_wait3A_70 : memref<1x80x128xi32, #tpu.memory_space<hbm>> -> memref<80x128xi32, #tpu.memory_space<hbm>>
      tpu.wait_dma2 semaphore(%run_scoped3A : memref<!tpu.dma_semaphore, #tpu.memory_space<semaphore_mem>>) src(%dma_wait3A_71 : memref<80x128xi32, #tpu.memory_space<hbm>>) dst(%arg7 : memref<80x128xi32, #tpu.memory_space<vmem>>)
      tpu.yield
    }) : () -> ()
    %broadcast_in_dim3A = arith.constant 0.000000e+00 : f32
    %broadcast_in_dim3A_1 = vector.broadcast %broadcast_in_dim3A : f32 to vector<16xf32>
    %scan3A = arith.constant 0 : i32
    %scan3A_2 = arith.constant 0 : i32
    %scan3A_3 = arith.constant 128 : i32
    %scan3A_4 = arith.addi %scan3A_2, %scan3A_3 : i32
    %scan3A_5 = arith.constant 1 : i32
    scf.for %scan3A_57 = %scan3A_2 to %scan3A_4 step %scan3A_5  : i32 {
      %swap3A = arith.index_cast %scan3A_57 : i32 to index
      %swap3A_58 = arith.constant 0 : index
      %swap3A_59 = tpu.vector_load %arg9[%swap3A, %swap3A_58] {strides = array<i32>} : memref<128x128xf32, #tpu.memory_space<vmem>>, vector<1x16xf32>,
      %swap3A_60 = vector.shape_cast %swap3A_59 : vector<1x16xf32> to vector<16xf32>
      %swap3A_61 = vector.shape_cast %broadcast_in_dim3A_1 : vector<16xf32> to vector<1x16xf32>
      tpu.vector_store %arg9[%swap3A, %swap3A_58], %swap3A_61 {strides = array<i32>} : memref<128x128xf32, #tpu.memory_space<vmem>>, vector<1x16xf32>,
      %swap3A_62 = arith.index_cast %scan3A_57 : i32 to index
      %swap3A_63 = arith.constant 16 : index
      %swap3A_64 = tpu.vector_load %arg9[%swap3A_62, %swap3A_63] {strides = array<i32>} : memref<128x128xf32, #tpu.memory_space<vmem>>, vector<1x16xf32>,
      %swap3A_65 = vector.shape_cast %swap3A_64 : vector<1x16xf32> to vector<16xf32>
      %swap3A_66 = vector.shape_cast %broadcast_in_dim3A_1 : vector<16xf32> to vector<1x16xf32>
      tpu.vector_store %arg9[%swap3A_62, %swap3A_63], %swap3A_66 {strides = array<i32>} : memref<128x128xf32, #tpu.memory_space<vmem>>, vector<1x16xf32>,
      %swap3A_67 = arith.index_cast %scan3A_57 : i32 to index
      %swap3A_68 = arith.constant 32 : index
      %swap3A_69 = tpu.vector_load %arg9[%swap3A_67, %swap3A_68] {strides = array<i32>} : memref<128x128xf32, #tpu.memory_space<vmem>>, vector<1x16xf32>,
      %swap3A_70 = vector.shape_cast %swap3A_69 : vector<1x16xf32> to vector<16xf32>
      %swap3A_71 = vector.shape_cast %broadcast_in_dim3A_1 : vector<16xf32> to vector<1x16xf32>
      tpu.vector_store %arg9[%swap3A_67, %swap3A_68], %swap3A_71 {strides = array<i32>} : memref<128x128xf32, #tpu.memory_space<vmem>>, vector<1x16xf32>,
      %swap3A_72 = arith.index_cast %scan3A_57 : i32 to index
      %swap3A_73 = arith.constant 48 : index
      %swap3A_74 = tpu.vector_load %arg9[%swap3A_72, %swap3A_73] {strides = array<i32>} : memref<128x128xf32, #tpu.memory_space<vmem>>, vector<1x16xf32>,
      %swap3A_75 = vector.shape_cast %swap3A_74 : vector<1x16xf32> to vector<16xf32>
      %swap3A_76 = vector.shape_cast %broadcast_in_dim3A_1 : vector<16xf32> to vector<1x16xf32>
      tpu.vector_store %arg9[%swap3A_72, %swap3A_73], %swap3A_76 {strides = array<i32>} : memref<128x128xf32, #tpu.memory_space<vmem>>, vector<1x16xf32>,
      %swap3A_77 = arith.index_cast %scan3A_57 : i32 to index
      %swap3A_78 = arith.constant 64 : index
      %swap3A_79 = tpu.vector_load %arg9[%swap3A_77, %swap3A_78] {strides = array<i32>} : memref<128x128xf32, #tpu.memory_space<vmem>>, vector<1x16xf32>,
      %swap3A_80 = vector.shape_cast %swap3A_79 : vector<1x16xf32> to vector<16xf32>
      %swap3A_81 = vector.shape_cast %broadcast_in_dim3A_1 : vector<16xf32> to vector<1x16xf32>
      tpu.vector_store %arg9[%swap3A_77, %swap3A_78], %swap3A_81 {strides = array<i32>} : memref<128x128xf32, #tpu.memory_space<vmem>>, vector<1x16xf32>,
      %swap3A_82 = arith.index_cast %scan3A_57 : i32 to index
      %swap3A_83 = arith.constant 80 : index
      %swap3A_84 = tpu.vector_load %arg9[%swap3A_82, %swap3A_83] {strides = array<i32>} : memref<128x128xf32, #tpu.memory_space<vmem>>, vector<1x16xf32>,
      %swap3A_85 = vector.shape_cast %swap3A_84 : vector<1x16xf32> to vector<16xf32>
      %swap3A_86 = vector.shape_cast %broadcast_in_dim3A_1 : vector<16xf32> to vector<1x16xf32>
      tpu.vector_store %arg9[%swap3A_82, %swap3A_83], %swap3A_86 {strides = array<i32>} : memref<128x128xf32, #tpu.memory_space<vmem>>, vector<1x16xf32>,
      %swap3A_87 = arith.index_cast %scan3A_57 : i32 to index
      %swap3A_88 = arith.constant 96 : index
      %swap3A_89 = tpu.vector_load %arg9[%swap3A_87, %swap3A_88] {strides = array<i32>} : memref<128x128xf32, #tpu.memory_space<vmem>>, vector<1x16xf32>,
      %swap3A_90 = vector.shape_cast %swap3A_89 : vector<1x16xf32> to vector<16xf32>
      %swap3A_91 = vector.shape_cast %broadcast_in_dim3A_1 : vector<16xf32> to vector<1x16xf32>
      tpu.vector_store %arg9[%swap3A_87, %swap3A_88], %swap3A_91 {strides = array<i32>} : memref<128x128xf32, #tpu.memory_space<vmem>>, vector<1x16xf32>,
      %swap3A_92 = arith.index_cast %scan3A_57 : i32 to index
      %swap3A_93 = arith.constant 112 : index
      %swap3A_94 = tpu.vector_load %arg9[%swap3A_92, %swap3A_93] {strides = array<i32>} : memref<128x128xf32, #tpu.memory_space<vmem>>, vector<1x16xf32>,
      %swap3A_95 = vector.shape_cast %swap3A_94 : vector<1x16xf32> to vector<16xf32>
      %swap3A_96 = vector.shape_cast %broadcast_in_dim3A_1 : vector<16xf32> to vector<1x16xf32>
      tpu.vector_store %arg9[%swap3A_92, %swap3A_93], %swap3A_96 {strides = array<i32>} : memref<128x128xf32, #tpu.memory_space<vmem>>, vector<1x16xf32>,
    }
    %scan3A_6 = arith.constant 128 : i32
    %mul3A_7 = arith.constant 624 : i32
    %mul3A_8 = arith.muli %arg1, %mul3A_7 : i32
    %add3A_9 = arith.constant 0 : i32
    %add3A_10 = arith.addi %mul3A_8, %add3A_9 : i32
    "tpu.region"() ({
      %run_scoped3A = tpu.sem_alloc : memref<!tpu.dma_semaphore, #tpu.memory_space<semaphore_mem>>
      %dma_start3A_57 = arith.constant 0 : i32
      %dma_start3A_58 = tpu.memref_slice %arg6[%add3A_10, %dma_start3A_57] : memref<10384x128xf32, #tpu.memory_space<vmem_shared>> -> memref<128x128xf32, #tpu.memory_space<vmem_shared>>
      %dma_start3A_59 = arith.constant 0 : i32
      %dma_start3A_60 = tpu.memref_slice %arg6[%add3A_10, %dma_start3A_59] : memref<10384x128xf32, #tpu.memory_space<vmem_shared>> -> memref<128x128xf32, #tpu.memory_space<vmem_shared>>
      tpu.enqueue_dma source(%arg9 : memref<128x128xf32, #tpu.memory_space<vmem>>) target(%dma_start3A_60 : memref<128x128xf32, #tpu.memory_space<vmem_shared>>) target_semaphore(%run_scoped3A : memref<!tpu.dma_semaphore, #tpu.memory_space<semaphore_mem>>)
      %dma_wait3A = arith.constant 0 : i32
      %dma_wait3A_61 = tpu.memref_slice %arg6[%add3A_10, %dma_wait3A] : memref<10384x128xf32, #tpu.memory_space<vmem_shared>> -> memref<128x128xf32, #tpu.memory_space<vmem_shared>>
      %dma_wait3A_62 = arith.constant 0 : i32
      %dma_wait3A_63 = tpu.memref_slice %arg6[%add3A_10, %dma_wait3A_62] : memref<10384x128xf32, #tpu.memory_space<vmem_shared>> -> memref<128x128xf32, #tpu.memory_space<vmem_shared>>
      tpu.wait_dma2 semaphore(%run_scoped3A : memref<!tpu.dma_semaphore, #tpu.memory_space<semaphore_mem>>) src(%arg9 : memref<128x128xf32, #tpu.memory_space<vmem>>) dst(%dma_wait3A_63 : memref<128x128xf32, #tpu.memory_space<vmem_shared>>)
      tpu.yield
    }) : () -> ()
    %add3A_11 = arith.constant 128 : i32
    %add3A_12 = arith.addi %mul3A_8, %add3A_11 : i32
    "tpu.region"() ({
      %run_scoped3A = tpu.sem_alloc : memref<!tpu.dma_semaphore, #tpu.memory_space<semaphore_mem>>
      %dma_start3A_57 = arith.constant 0 : i32
      %dma_start3A_58 = tpu.memref_slice %arg6[%add3A_12, %dma_start3A_57] : memref<10384x128xf32, #tpu.memory_space<vmem_shared>> -> memref<128x128xf32, #tpu.memory_space<vmem_shared>>
      %dma_start3A_59 = arith.constant 0 : i32
      %dma_start3A_60 = tpu.memref_slice %arg6[%add3A_12, %dma_start3A_59] : memref<10384x128xf32, #tpu.memory_space<vmem_shared>> -> memref<128x128xf32, #tpu.memory_space<vmem_shared>>
      tpu.enqueue_dma source(%arg9 : memref<128x128xf32, #tpu.memory_space<vmem>>) target(%dma_start3A_60 : memref<128x128xf32, #tpu.memory_space<vmem_shared>>) target_semaphore(%run_scoped3A : memref<!tpu.dma_semaphore, #tpu.memory_space<semaphore_mem>>)
      %dma_wait3A = arith.constant 0 : i32
      %dma_wait3A_61 = tpu.memref_slice %arg6[%add3A_12, %dma_wait3A] : memref<10384x128xf32, #tpu.memory_space<vmem_shared>> -> memref<128x128xf32, #tpu.memory_space<vmem_shared>>
      %dma_wait3A_62 = arith.constant 0 : i32
      %dma_wait3A_63 = tpu.memref_slice %arg6[%add3A_12, %dma_wait3A_62] : memref<10384x128xf32, #tpu.memory_space<vmem_shared>> -> memref<128x128xf32, #tpu.memory_space<vmem_shared>>
      tpu.wait_dma2 semaphore(%run_scoped3A : memref<!tpu.dma_semaphore, #tpu.memory_space<semaphore_mem>>) src(%arg9 : memref<128x128xf32, #tpu.memory_space<vmem>>) dst(%dma_wait3A_63 : memref<128x128xf32, #tpu.memory_space<vmem_shared>>)
      tpu.yield
    }) : () -> ()
    %add3A_13 = arith.constant 256 : i32
    %add3A_14 = arith.addi %mul3A_8, %add3A_13 : i32
    "tpu.region"() ({
      %run_scoped3A = tpu.sem_alloc : memref<!tpu.dma_semaphore, #tpu.memory_space<semaphore_mem>>
      %dma_start3A_57 = arith.constant 0 : i32
      %dma_start3A_58 = tpu.memref_slice %arg6[%add3A_14, %dma_start3A_57] : memref<10384x128xf32, #tpu.memory_space<vmem_shared>> -> memref<128x128xf32, #tpu.memory_space<vmem_shared>>
      %dma_start3A_59 = arith.constant 0 : i32
      %dma_start3A_60 = tpu.memref_slice %arg6[%add3A_14, %dma_start3A_59] : memref<10384x128xf32, #tpu.memory_space<vmem_shared>> -> memref<128x128xf32, #tpu.memory_space<vmem_shared>>
      tpu.enqueue_dma source(%arg9 : memref<128x128xf32, #tpu.memory_space<vmem>>) target(%dma_start3A_60 : memref<128x128xf32, #tpu.memory_space<vmem_shared>>) target_semaphore(%run_scoped3A : memref<!tpu.dma_semaphore, #tpu.memory_space<semaphore_mem>>)
      %dma_wait3A = arith.constant 0 : i32
      %dma_wait3A_61 = tpu.memref_slice %arg6[%add3A_14, %dma_wait3A] : memref<10384x128xf32, #tpu.memory_space<vmem_shared>> -> memref<128x128xf32, #tpu.memory_space<vmem_shared>>
      %dma_wait3A_62 = arith.constant 0 : i32
      %dma_wait3A_63 = tpu.memref_slice %arg6[%add3A_14, %dma_wait3A_62] : memref<10384x128xf32, #tpu.memory_space<vmem_shared>> -> memref<128x128xf32, #tpu.memory_space<vmem_shared>>
      tpu.wait_dma2 semaphore(%run_scoped3A : memref<!tpu.dma_semaphore, #tpu.memory_space<semaphore_mem>>) src(%arg9 : memref<128x128xf32, #tpu.memory_space<vmem>>) dst(%dma_wait3A_63 : memref<128x128xf32, #tpu.memory_space<vmem_shared>>)
      tpu.yield
    }) : () -> ()
    %add3A_15 = arith.constant 384 : i32
    %add3A_16 = arith.addi %mul3A_8, %add3A_15 : i32
    "tpu.region"() ({
      %run_scoped3A = tpu.sem_alloc : memref<!tpu.dma_semaphore, #tpu.memory_space<semaphore_mem>>
      %dma_start3A_57 = arith.constant 0 : i32
      %dma_start3A_58 = tpu.memref_slice %arg6[%add3A_16, %dma_start3A_57] : memref<10384x128xf32, #tpu.memory_space<vmem_shared>> -> memref<128x128xf32, #tpu.memory_space<vmem_shared>>
      %dma_start3A_59 = arith.constant 0 : i32
      %dma_start3A_60 = tpu.memref_slice %arg6[%add3A_16, %dma_start3A_59] : memref<10384x128xf32, #tpu.memory_space<vmem_shared>> -> memref<128x128xf32, #tpu.memory_space<vmem_shared>>
      tpu.enqueue_dma source(%arg9 : memref<128x128xf32, #tpu.memory_space<vmem>>) target(%dma_start3A_60 : memref<128x128xf32, #tpu.memory_space<vmem_shared>>) target_semaphore(%run_scoped3A : memref<!tpu.dma_semaphore, #tpu.memory_space<semaphore_mem>>)
      %dma_wait3A = arith.constant 0 : i32
      %dma_wait3A_61 = tpu.memref_slice %arg6[%add3A_16, %dma_wait3A] : memref<10384x128xf32, #tpu.memory_space<vmem_shared>> -> memref<128x128xf32, #tpu.memory_space<vmem_shared>>
      %dma_wait3A_62 = arith.constant 0 : i32
      %dma_wait3A_63 = tpu.memref_slice %arg6[%add3A_16, %dma_wait3A_62] : memref<10384x128xf32, #tpu.memory_space<vmem_shared>> -> memref<128x128xf32, #tpu.memory_space<vmem_shared>>
      tpu.wait_dma2 semaphore(%run_scoped3A : memref<!tpu.dma_semaphore, #tpu.memory_space<semaphore_mem>>) src(%arg9 : memref<128x128xf32, #tpu.memory_space<vmem>>) dst(%dma_wait3A_63 : memref<128x128xf32, #tpu.memory_space<vmem_shared>>)
      tpu.yield
    }) : () -> ()
    %add3A_17 = arith.constant 624 : i32
    %add3A_18 = arith.addi %mul3A_8, %add3A_17 : i32
    %sub3A = arith.constant 112 : i32
    %sub3A_19 = arith.subi %add3A_18, %sub3A : i32
    "tpu.region"() ({
      %run_scoped3A = tpu.sem_alloc : memref<!tpu.dma_semaphore, #tpu.memory_space<semaphore_mem>>
      %dma_start3A_57 = arith.constant 0 : i32
      %dma_start3A_58 = arith.constant 0 : i32
      %dma_start3A_59 = tpu.memref_slice %arg9[%dma_start3A_57, %dma_start3A_58] : memref<128x128xf32, #tpu.memory_space<vmem>> -> memref<112x128xf32, #tpu.memory_space<vmem>>
      %dma_start3A_60 = arith.constant 0 : i32
      %dma_start3A_61 = tpu.memref_slice %arg6[%sub3A_19, %dma_start3A_60] : memref<10384x128xf32, #tpu.memory_space<vmem_shared>> -> memref<112x128xf32, #tpu.memory_space<vmem_shared>>
      %dma_start3A_62 = arith.constant 0 : i32
      %dma_start3A_63 = tpu.memref_slice %arg6[%sub3A_19, %dma_start3A_62] : memref<10384x128xf32, #tpu.memory_space<vmem_shared>> -> memref<112x128xf32, #tpu.memory_space<vmem_shared>>
      %dma_start3A_64 = arith.constant 0 : i32
      %dma_start3A_65 = arith.constant 0 : i32
      %dma_start3A_66 = tpu.memref_slice %arg9[%dma_start3A_64, %dma_start3A_65] : memref<128x128xf32, #tpu.memory_space<vmem>> -> memref<112x128xf32, #tpu.memory_space<vmem>>
      tpu.enqueue_dma source(%dma_start3A_66 : memref<112x128xf32, #tpu.memory_space<vmem>>) target(%dma_start3A_63 : memref<112x128xf32, #tpu.memory_space<vmem_shared>>) target_semaphore(%run_scoped3A : memref<!tpu.dma_semaphore, #tpu.memory_space<semaphore_mem>>)
      %dma_wait3A = arith.constant 0 : i32
      %dma_wait3A_67 = arith.constant 0 : i32
      %dma_wait3A_68 = tpu.memref_slice %arg9[%dma_wait3A, %dma_wait3A_67] : memref<128x128xf32, #tpu.memory_space<vmem>> -> memref<112x128xf32, #tpu.memory_space<vmem>>
      %dma_wait3A_69 = arith.constant 0 : i32
      %dma_wait3A_70 = tpu.memref_slice %arg6[%sub3A_19, %dma_wait3A_69] : memref<10384x128xf32, #tpu.memory_space<vmem_shared>> -> memref<112x128xf32, #tpu.memory_space<vmem_shared>>
      %dma_wait3A_71 = arith.constant 0 : i32
      %dma_wait3A_72 = tpu.memref_slice %arg6[%sub3A_19, %dma_wait3A_71] : memref<10384x128xf32, #tpu.memory_space<vmem_shared>> -> memref<112x128xf32, #tpu.memory_space<vmem_shared>>
      %dma_wait3A_73 = arith.constant 0 : i32
      %dma_wait3A_74 = arith.constant 0 : i32
      %dma_wait3A_75 = tpu.memref_slice %arg9[%dma_wait3A_73, %dma_wait3A_74] : memref<128x128xf32, #tpu.memory_space<vmem>> -> memref<112x128xf32, #tpu.memory_space<vmem>>
      tpu.wait_dma2 semaphore(%run_scoped3A : memref<!tpu.dma_semaphore, #tpu.memory_space<semaphore_mem>>) src(%dma_wait3A_75 : memref<112x128xf32, #tpu.memory_space<vmem>>) dst(%dma_wait3A_72 : memref<112x128xf32, #tpu.memory_space<vmem_shared>>)
      tpu.yield
    }) : () -> ()
    %eq3A = arith.constant 0 : i32
    %eq3A_20 = arith.cmpi eq, %arg1, %eq3A : i32
    %convert_element_type3A = arith.extui %eq3A_20 : i1 to i32
    %cond3A = arith.constant 0 : i32
    %cond3A_21 = arith.cmpi ne, %convert_element_type3A, %cond3A : i32
    scf.if %cond3A_21 {
      "tpu.region"() ({
        %run_scoped3A = tpu.sem_alloc : memref<!tpu.dma_semaphore, #tpu.memory_space<semaphore_mem>>
        %dma_start3A_57 = arith.constant 0 : i32
        %dma_start3A_58 = arith.constant 0 : i32
        %dma_start3A_59 = tpu.memref_slice %arg9[%dma_start3A_57, %dma_start3A_58] : memref<128x128xf32, #tpu.memory_space<vmem>> -> memref<16x128xf32, #tpu.memory_space<vmem>>
        %dma_start3A_60 = arith.constant 9984 : i32
        %dma_start3A_61 = arith.constant 0 : i32
        %dma_start3A_62 = tpu.memref_slice %arg6[%dma_start3A_60, %dma_start3A_61] : memref<10384x128xf32, #tpu.memory_space<vmem_shared>> -> memref<16x128xf32, #tpu.memory_space<vmem_shared>>
        %dma_start3A_63 = arith.constant 9984 : i32
        %dma_start3A_64 = arith.constant 0 : i32
        %dma_start3A_65 = tpu.memref_slice %arg6[%dma_start3A_63, %dma_start3A_64] : memref<10384x128xf32, #tpu.memory_space<vmem_shared>> -> memref<16x128xf32, #tpu.memory_space<vmem_shared>>
        %dma_start3A_66 = arith.constant 0 : i32
        %dma_start3A_67 = arith.constant 0 : i32
        %dma_start3A_68 = tpu.memref_slice %arg9[%dma_start3A_66, %dma_start3A_67] : memref<128x128xf32, #tpu.memory_space<vmem>> -> memref<16x128xf32, #tpu.memory_space<vmem>>
        tpu.enqueue_dma source(%dma_start3A_68 : memref<16x128xf32, #tpu.memory_space<vmem>>) target(%dma_start3A_65 : memref<16x128xf32, #tpu.memory_space<vmem_shared>>) target_semaphore(%run_scoped3A : memref<!tpu.dma_semaphore, #tpu.memory_space<semaphore_mem>>)
        %dma_wait3A = arith.constant 0 : i32
        %dma_wait3A_69 = arith.constant 0 : i32
        %dma_wait3A_70 = tpu.memref_slice %arg9[%dma_wait3A, %dma_wait3A_69] : memref<128x128xf32, #tpu.memory_space<vmem>> -> memref<16x128xf32, #tpu.memory_space<vmem>>
        %dma_wait3A_71 = arith.constant 9984 : i32
        %dma_wait3A_72 = arith.constant 0 : i32
        %dma_wait3A_73 = tpu.memref_slice %arg6[%dma_wait3A_71, %dma_wait3A_72] : memref<10384x128xf32, #tpu.memory_space<vmem_shared>> -> memref<16x128xf32, #tpu.memory_space<vmem_shared>>
        %dma_wait3A_74 = arith.constant 9984 : i32
        %dma_wait3A_75 = arith.constant 0 : i32
        %dma_wait3A_76 = tpu.memref_slice %arg6[%dma_wait3A_74, %dma_wait3A_75] : memref<10384x128xf32, #tpu.memory_space<vmem_shared>> -> memref<16x128xf32, #tpu.memory_space<vmem_shared>>
        %dma_wait3A_77 = arith.constant 0 : i32
        %dma_wait3A_78 = arith.constant 0 : i32
        %dma_wait3A_79 = tpu.memref_slice %arg9[%dma_wait3A_77, %dma_wait3A_78] : memref<128x128xf32, #tpu.memory_space<vmem>> -> memref<16x128xf32, #tpu.memory_space<vmem>>
        tpu.wait_dma2 semaphore(%run_scoped3A : memref<!tpu.dma_semaphore, #tpu.memory_space<semaphore_mem>>) src(%dma_wait3A_79 : memref<16x128xf32, #tpu.memory_space<vmem>>) dst(%dma_wait3A_76 : memref<16x128xf32, #tpu.memory_space<vmem_shared>>)
        tpu.yield
      }) : () -> ()
    } else {
    }
    %barrier3A = arith.constant 0 : index
    tpu.barrier barrier_id(%barrier3A)
    %dma_start3A = arith.constant 0 : i32
    %dma_start3A_22 = arith.constant 0 : i32
    %dma_start3A_23 = arith.constant 0 : i32
    %dma_start3A_24 = tpu.memref_slice %arg8[%dma_start3A, %dma_start3A_22, %dma_start3A_23] : memref<2x16x128xi32, #tpu.memory_space<vmem>> -> memref<1x16x128xi32, #tpu.memory_space<vmem>>
    %dma_start3A_25 = tpu.memref_squeeze %dma_start3A_24 : memref<1x16x128xi32, #tpu.memory_space<vmem>> -> memref<16x128xi32, #tpu.memory_space<vmem>>
    %dma_start3A_26 = arith.constant 0 : i32
    %dma_start3A_27 = arith.constant 0 : i32
    %dma_start3A_28 = tpu.memref_slice %arg4[%add3A, %dma_start3A_26, %dma_start3A_27] : memref<32x80x128xi32, #tpu.memory_space<hbm>> -> memref<1x16x128xi32, #tpu.memory_space<hbm>>
    %dma_start3A_29 = tpu.memref_squeeze %dma_start3A_28 : memref<1x16x128xi32, #tpu.memory_space<hbm>> -> memref<16x128xi32, #tpu.memory_space<hbm>>
    %dma_start3A_30 = arith.constant 0 : i32
    %dma_start3A_31 = arith.constant 0 : i32
    %dma_start3A_32 = tpu.memref_slice %arg8[%dma_start3A, %dma_start3A_30, %dma_start3A_31] : memref<2x16x128xi32, #tpu.memory_space<vmem>> -> memref<1x16x128xi32, #tpu.memory_space<vmem>>
    %dma_start3A_33 = tpu.memref_squeeze %dma_start3A_32 : memref<1x16x128xi32, #tpu.memory_space<vmem>> -> memref<16x128xi32, #tpu.memory_space<vmem>>
    %dma_start3A_34 = arith.constant 0 : i32
    %dma_start3A_35 = arith.constant 0 : i32
    %dma_start3A_36 = tpu.memref_slice %arg4[%add3A, %dma_start3A_34, %dma_start3A_35] : memref<32x80x128xi32, #tpu.memory_space<hbm>> -> memref<1x16x128xi32, #tpu.memory_space<hbm>>
    %dma_start3A_37 = tpu.memref_squeeze %dma_start3A_36 : memref<1x16x128xi32, #tpu.memory_space<hbm>> -> memref<16x128xi32, #tpu.memory_space<hbm>>
    tpu.enqueue_dma source(%dma_start3A_37 : memref<16x128xi32, #tpu.memory_space<hbm>>) target(%dma_start3A_33 : memref<16x128xi32, #tpu.memory_space<vmem>>) target_semaphore(%arg12 : memref<!tpu.dma_semaphore, #tpu.memory_space<semaphore_mem>>)
    %dma_start3A_38 = arith.constant 0 : i32
    %dma_start3A_39 = arith.constant 0 : i32
    %dma_start3A_40 = tpu.memref_slice %arg7[%dma_start3A_38, %dma_start3A_39] : memref<80x128xi32, #tpu.memory_space<vmem>> -> memref<1x128xi32, #tpu.memory_space<vmem>>
    %dma_start3A_41 = tpu.memref_squeeze %dma_start3A_40 : memref<1x128xi32, #tpu.memory_space<vmem>> -> memref<128xi32, #tpu.memory_space<vmem>>
    %dma_start3A_42 = arith.constant 0 : i32
    %dma_start3A_43 = arith.constant 0 : i32
    %dma_start3A_44 = tpu.memref_slice %arg2[%dma_start3A_42, %dma_start3A_43] : memref<10000x128xf32, #tpu.memory_space<hbm>> -> memref<10000x128xf32, #tpu.memory_space<hbm>>
    tpu.enqueue_indirect_dma source(%dma_start3A_44 : memref<10000x128xf32, #tpu.memory_space<hbm>>) target(%arg9 : memref<128x128xf32, #tpu.memory_space<vmem>>) offsets(%dma_start3A_41 : memref<128xi32, #tpu.memory_space<vmem>>) semaphore(%arg11 : memref<!tpu.dma_semaphore, #tpu.memory_space<semaphore_mem>>)
    %scan3A_45 = arith.constant 0 : i32
    %scan3A_46 = arith.constant 0 : i32
    %scan3A_47 = arith.constant 5 : i32
    %scan3A_48 = arith.addi %scan3A_46, %scan3A_47 : i32
    %scan3A_49 = arith.constant 1 : i32
    scf.for %scan3A_57 = %scan3A_46 to %scan3A_48 step %scan3A_49  : i32 {
      %rem3A = arith.constant 2 : i32
      %rem3A_58 = arith.remsi %scan3A_57, %rem3A : i32
      %dma_wait3A = arith.constant 0 : i32
      %dma_wait3A_59 = arith.constant 0 : i32
      %dma_wait3A_60 = tpu.memref_slice %arg8[%rem3A_58, %dma_wait3A, %dma_wait3A_59] : memref<2x16x128xi32, #tpu.memory_space<vmem>> -> memref<1x16x128xi32, #tpu.memory_space<vmem>>
      %dma_wait3A_61 = tpu.memref_squeeze %dma_wait3A_60 : memref<1x16x128xi32, #tpu.memory_space<vmem>> -> memref<16x128xi32, #tpu.memory_space<vmem>>
      %dma_wait3A_62 = arith.constant 0 : i32
      %dma_wait3A_63 = arith.constant 0 : i32
      %dma_wait3A_64 = tpu.memref_slice %arg4[%add3A, %dma_wait3A_62, %dma_wait3A_63] : memref<32x80x128xi32, #tpu.memory_space<hbm>> -> memref<1x16x128xi32, #tpu.memory_space<hbm>>
      %dma_wait3A_65 = tpu.memref_squeeze %dma_wait3A_64 : memref<1x16x128xi32, #tpu.memory_space<hbm>> -> memref<16x128xi32, #tpu.memory_space<hbm>>
      %dma_wait3A_66 = arith.constant 0 : i32
      %dma_wait3A_67 = arith.constant 0 : i32
      %dma_wait3A_68 = tpu.memref_slice %arg8[%rem3A_58, %dma_wait3A_66, %dma_wait3A_67] : memref<2x16x128xi32, #tpu.memory_space<vmem>> -> memref<1x16x128xi32, #tpu.memory_space<vmem>>
      %dma_wait3A_69 = tpu.memref_squeeze %dma_wait3A_68 : memref<1x16x128xi32, #tpu.memory_space<vmem>> -> memref<16x128xi32, #tpu.memory_space<vmem>>
      %dma_wait3A_70 = arith.constant 0 : i32
      %dma_wait3A_71 = arith.constant 0 : i32
      %dma_wait3A_72 = tpu.memref_slice %arg4[%add3A, %dma_wait3A_70, %dma_wait3A_71] : memref<32x80x128xi32, #tpu.memory_space<hbm>> -> memref<1x16x128xi32, #tpu.memory_space<hbm>>
      %dma_wait3A_73 = tpu.memref_squeeze %dma_wait3A_72 : memref<1x16x128xi32, #tpu.memory_space<hbm>> -> memref<16x128xi32, #tpu.memory_space<hbm>>
      tpu.wait_dma2 semaphore(%arg12 : memref<!tpu.dma_semaphore, #tpu.memory_space<semaphore_mem>>) src(%dma_wait3A_73 : memref<16x128xi32, #tpu.memory_space<hbm>>) dst(%dma_wait3A_69 : memref<16x128xi32, #tpu.memory_space<vmem>>)
      %add3A_74 = arith.constant 1 : i32
      %add3A_75 = arith.addi %scan3A_57, %add3A_74 : i32
      %lt3A = arith.constant 5 : i32
      %lt3A_76 = arith.cmpi slt, %add3A_75, %lt3A : i32
      %convert_element_type3A_77 = arith.extui %lt3A_76 : i1 to i32
      %cond3A_78 = arith.constant 0 : i32
      %cond3A_79 = arith.cmpi ne, %convert_element_type3A_77, %cond3A_78 : i32
      scf.if %cond3A_79 {
        %add3A_367 = arith.constant 1 : i32
        %add3A_368 = arith.addi %scan3A_57, %add3A_367 : i32
        %mul3A_369 = arith.constant 16 : i32
        %mul3A_370 = arith.muli %add3A_368, %mul3A_369 : i32
        %add3A_371 = arith.constant 1 : i32
        %add3A_372 = arith.addi %scan3A_57, %add3A_371 : i32
        %rem3A_373 = arith.constant 2 : i32
        %rem3A_374 = arith.remsi %add3A_372, %rem3A_373 : i32
        %dma_start3A_375 = arith.constant 0 : i32
        %dma_start3A_376 = arith.constant 0 : i32
        %dma_start3A_377 = tpu.memref_slice %arg8[%rem3A_374, %dma_start3A_375, %dma_start3A_376] : memref<2x16x128xi32, #tpu.memory_space<vmem>> -> memref<1x16x128xi32, #tpu.memory_space<vmem>>
        %dma_start3A_378 = tpu.memref_squeeze %dma_start3A_377 : memref<1x16x128xi32, #tpu.memory_space<vmem>> -> memref<16x128xi32, #tpu.memory_space<vmem>>
        %dma_start3A_379 = arith.constant 0 : i32
        %dma_start3A_380 = tpu.memref_slice %arg4[%add3A, %mul3A_370, %dma_start3A_379] : memref<32x80x128xi32, #tpu.memory_space<hbm>> -> memref<1x16x128xi32, #tpu.memory_space<hbm>>
        %dma_start3A_381 = tpu.memref_squeeze %dma_start3A_380 : memref<1x16x128xi32, #tpu.memory_space<hbm>> -> memref<16x128xi32, #tpu.memory_space<hbm>>
        %dma_start3A_382 = arith.constant 0 : i32
        %dma_start3A_383 = arith.constant 0 : i32
        %dma_start3A_384 = tpu.memref_slice %arg8[%rem3A_374, %dma_start3A_382, %dma_start3A_383] : memref<2x16x128xi32, #tpu.memory_space<vmem>> -> memref<1x16x128xi32, #tpu.memory_space<vmem>>
        %dma_start3A_385 = tpu.memref_squeeze %dma_start3A_384 : memref<1x16x128xi32, #tpu.memory_space<vmem>> -> memref<16x128xi32, #tpu.memory_space<vmem>>
        %dma_start3A_386 = arith.constant 0 : i32
        %dma_start3A_387 = tpu.memref_slice %arg4[%add3A, %mul3A_370, %dma_start3A_386] : memref<32x80x128xi32, #tpu.memory_space<hbm>> -> memref<1x16x128xi32, #tpu.memory_space<hbm>>
        %dma_start3A_388 = tpu.memref_squeeze %dma_start3A_387 : memref<1x16x128xi32, #tpu.memory_space<hbm>> -> memref<16x128xi32, #tpu.memory_space<hbm>>
        tpu.enqueue_dma source(%dma_start3A_388 : memref<16x128xi32, #tpu.memory_space<hbm>>) target(%dma_start3A_385 : memref<16x128xi32, #tpu.memory_space<vmem>>) target_semaphore(%arg12 : memref<!tpu.dma_semaphore, #tpu.memory_space<semaphore_mem>>)
      } else {
      }
      %mul3A_80 = arith.constant 16 : i32
      %mul3A_81 = arith.muli %scan3A_57, %mul3A_80 : i32
      %add3A_82 = arith.constant 0 : i32
      %add3A_83 = arith.addi %mul3A_81, %add3A_82 : i32
      %add3A_84 = arith.constant 1 : i32
      %add3A_85 = arith.addi %add3A_83, %add3A_84 : i32
      %lt3A_86 = arith.constant 80 : i32
      %lt3A_87 = arith.cmpi slt, %add3A_85, %lt3A_86 : i32
      %convert_element_type3A_88 = arith.extui %lt3A_87 : i1 to i32
      %cond3A_89 = arith.constant 0 : i32
      %cond3A_90 = arith.cmpi ne, %convert_element_type3A_88, %cond3A_89 : i32
      scf.if %cond3A_90 {
        %add3A_367 = arith.constant 1 : i32
        %add3A_368 = arith.addi %add3A_83, %add3A_367 : i32
        %dma_start3A_369 = arith.constant 0 : i32
        %dma_start3A_370 = tpu.memref_slice %arg7[%add3A_368, %dma_start3A_369] : memref<80x128xi32, #tpu.memory_space<vmem>> -> memref<1x128xi32, #tpu.memory_space<vmem>>
        %dma_start3A_371 = tpu.memref_squeeze %dma_start3A_370 : memref<1x128xi32, #tpu.memory_space<vmem>> -> memref<128xi32, #tpu.memory_space<vmem>>
        %dma_start3A_372 = arith.constant 0 : i32
        %dma_start3A_373 = arith.constant 0 : i32
        %dma_start3A_374 = tpu.memref_slice %arg2[%dma_start3A_372, %dma_start3A_373] : memref<10000x128xf32, #tpu.memory_space<hbm>> -> memref<10000x128xf32, #tpu.memory_space<hbm>>
        tpu.enqueue_indirect_dma source(%dma_start3A_374 : memref<10000x128xf32, #tpu.memory_space<hbm>>) target(%arg10 : memref<128x128xf32, #tpu.memory_space<vmem>>) offsets(%dma_start3A_371 : memref<128xi32, #tpu.memory_space<vmem>>) semaphore(%arg11 : memref<!tpu.dma_semaphore, #tpu.memory_space<semaphore_mem>>)
      } else {
      }
      %dma_wait3A_91 = arith.constant 0 : i32
      %dma_wait3A_92 = tpu.memref_slice %arg7[%add3A_83, %dma_wait3A_91] : memref<80x128xi32, #tpu.memory_space<vmem>> -> memref<1x128xi32, #tpu.memory_space<vmem>>
      %dma_wait3A_93 = tpu.memref_squeeze %dma_wait3A_92 : memref<1x128xi32, #tpu.memory_space<vmem>> -> memref<128xi32, #tpu.memory_space<vmem>>
      %dma_wait3A_94 = arith.constant 0 : i32
      %dma_wait3A_95 = arith.constant 0 : i32
      %dma_wait3A_96 = tpu.memref_slice %arg2[%dma_wait3A_94, %dma_wait3A_95] : memref<10000x128xf32, #tpu.memory_space<hbm>> -> memref<10000x128xf32, #tpu.memory_space<hbm>>
      tpu.wait_indirect_dma semaphore(%arg11 : memref<!tpu.dma_semaphore, #tpu.memory_space<semaphore_mem>>) src(%dma_wait3A_96 : memref<10000x128xf32, #tpu.memory_space<hbm>>) dst(%arg9 : memref<128x128xf32, #tpu.memory_space<vmem>>)
      %run_scoped3A = arith.constant 0 : i32
      "tpu.region"() ({
        %run_scoped3A_367 = tpu.sem_alloc : memref<!tpu.dma_semaphore, #tpu.memory_space<semaphore_mem>>
        %dma_start3A_368 = arith.constant 0 : i32
        %dma_start3A_369 = tpu.memref_slice %arg8[%rem3A_58, %run_scoped3A, %dma_start3A_368] : memref<2x16x128xi32, #tpu.memory_space<vmem>> -> memref<1x1x128xi32, #tpu.memory_space<vmem>>
        %dma_start3A_370 = tpu.memref_squeeze %dma_start3A_369 : memref<1x1x128xi32, #tpu.memory_space<vmem>> -> memref<128xi32, #tpu.memory_space<vmem>>
        %dma_start3A_371 = arith.constant 0 : i32
        %dma_start3A_372 = arith.constant 0 : i32
        %dma_start3A_373 = tpu.memref_slice %arg6[%dma_start3A_371, %dma_start3A_372] : memref<10384x128xf32, #tpu.memory_space<vmem_shared>> -> memref<10384x128xf32, #tpu.memory_space<vmem_shared>>
        tpu.enqueue_indirect_dma source(%arg9 : memref<128x128xf32, #tpu.memory_space<vmem>>) target(%dma_start3A_373 : memref<10384x128xf32, #tpu.memory_space<vmem_shared>>) offsets(%dma_start3A_370 : memref<128xi32, #tpu.memory_space<vmem>>) semaphore(%run_scoped3A_367 : memref<!tpu.dma_semaphore, #tpu.memory_space<semaphore_mem>>) {add = true}
        %dma_wait3A_374 = arith.constant 0 : i32
        %dma_wait3A_375 = tpu.memref_slice %arg8[%rem3A_58, %run_scoped3A, %dma_wait3A_374] : memref<2x16x128xi32, #tpu.memory_space<vmem>> -> memref<1x1x128xi32, #tpu.memory_space<vmem>>
        %dma_wait3A_376 = tpu.memref_squeeze %dma_wait3A_375 : memref<1x1x128xi32, #tpu.memory_space<vmem>> -> memref<128xi32, #tpu.memory_space<vmem>>
        %dma_wait3A_377 = arith.constant 0 : i32
        %dma_wait3A_378 = arith.constant 0 : i32
        %dma_wait3A_379 = tpu.memref_slice %arg6[%dma_wait3A_377, %dma_wait3A_378] : memref<10384x128xf32, #tpu.memory_space<vmem_shared>> -> memref<10384x128xf32, #tpu.memory_space<vmem_shared>>
        tpu.wait_indirect_dma semaphore(%run_scoped3A_367 : memref<!tpu.dma_semaphore, #tpu.memory_space<semaphore_mem>>) src(%arg9 : memref<128x128xf32, #tpu.memory_space<vmem>>) dst(%dma_wait3A_379 : memref<10384x128xf32, #tpu.memory_space<vmem_shared>>)
        tpu.yield
      }) : () -> ()
      %mul3A_97 = arith.constant 16 : i32
      %mul3A_98 = arith.muli %scan3A_57, %mul3A_97 : i32
      %add3A_99 = arith.constant 1 : i32
      %add3A_100 = arith.addi %mul3A_98, %add3A_99 : i32
      %add3A_101 = arith.constant 1 : i32
      %add3A_102 = arith.addi %add3A_100, %add3A_101 : i32
      %lt3A_103 = arith.constant 80 : i32
      %lt3A_104 = arith.cmpi slt, %add3A_102, %lt3A_103 : i32
      %convert_element_type3A_105 = arith.extui %lt3A_104 : i1 to i32
      %cond3A_106 = arith.constant 0 : i32
      %cond3A_107 = arith.cmpi ne, %convert_element_type3A_105, %cond3A_106 : i32
      scf.if %cond3A_107 {
        %add3A_367 = arith.constant 1 : i32
        %add3A_368 = arith.addi %add3A_100, %add3A_367 : i32
        %dma_start3A_369 = arith.constant 0 : i32
        %dma_start3A_370 = tpu.memref_slice %arg7[%add3A_368, %dma_start3A_369] : memref<80x128xi32, #tpu.memory_space<vmem>> -> memref<1x128xi32, #tpu.memory_space<vmem>>
        %dma_start3A_371 = tpu.memref_squeeze %dma_start3A_370 : memref<1x128xi32, #tpu.memory_space<vmem>> -> memref<128xi32, #tpu.memory_space<vmem>>
        %dma_start3A_372 = arith.constant 0 : i32
        %dma_start3A_373 = arith.constant 0 : i32
        %dma_start3A_374 = tpu.memref_slice %arg2[%dma_start3A_372, %dma_start3A_373] : memref<10000x128xf32, #tpu.memory_space<hbm>> -> memref<10000x128xf32, #tpu.memory_space<hbm>>
        tpu.enqueue_indirect_dma source(%dma_start3A_374 : memref<10000x128xf32, #tpu.memory_space<hbm>>) target(%arg9 : memref<128x128xf32, #tpu.memory_space<vmem>>) offsets(%dma_start3A_371 : memref<128xi32, #tpu.memory_space<vmem>>) semaphore(%arg11 : memref<!tpu.dma_semaphore, #tpu.memory_space<semaphore_mem>>)
      } else {
      }
      %dma_wait3A_108 = arith.constant 0 : i32
      %dma_wait3A_109 = tpu.memref_slice %arg7[%add3A_100, %dma_wait3A_108] : memref<80x128xi32, #tpu.memory_space<vmem>> -> memref<1x128xi32, #tpu.memory_space<vmem>>
      %dma_wait3A_110 = tpu.memref_squeeze %dma_wait3A_109 : memref<1x128xi32, #tpu.memory_space<vmem>> -> memref<128xi32, #tpu.memory_space<vmem>>
      %dma_wait3A_111 = arith.constant 0 : i32
      %dma_wait3A_112 = arith.constant 0 : i32
      %dma_wait3A_113 = tpu.memref_slice %arg2[%dma_wait3A_111, %dma_wait3A_112] : memref<10000x128xf32, #tpu.memory_space<hbm>> -> memref<10000x128xf32, #tpu.memory_space<hbm>>
      tpu.wait_indirect_dma semaphore(%arg11 : memref<!tpu.dma_semaphore, #tpu.memory_space<semaphore_mem>>) src(%dma_wait3A_113 : memref<10000x128xf32, #tpu.memory_space<hbm>>) dst(%arg10 : memref<128x128xf32, #tpu.memory_space<vmem>>)
      %run_scoped3A_114 = arith.constant 1 : i32
      "tpu.region"() ({
        %run_scoped3A_367 = tpu.sem_alloc : memref<!tpu.dma_semaphore, #tpu.memory_space<semaphore_mem>>
        %dma_start3A_368 = arith.constant 0 : i32
        %dma_start3A_369 = tpu.memref_slice %arg8[%rem3A_58, %run_scoped3A_114, %dma_start3A_368] : memref<2x16x128xi32, #tpu.memory_space<vmem>> -> memref<1x1x128xi32, #tpu.memory_space<vmem>>
        %dma_start3A_370 = tpu.memref_squeeze %dma_start3A_369 : memref<1x1x128xi32, #tpu.memory_space<vmem>> -> memref<128xi32, #tpu.memory_space<vmem>>
        %dma_start3A_371 = arith.constant 0 : i32
        %dma_start3A_372 = arith.constant 0 : i32
        %dma_start3A_373 = tpu.memref_slice %arg6[%dma_start3A_371, %dma_start3A_372] : memref<10384x128xf32, #tpu.memory_space<vmem_shared>> -> memref<10384x128xf32, #tpu.memory_space<vmem_shared>>
        tpu.enqueue_indirect_dma source(%arg10 : memref<128x128xf32, #tpu.memory_space<vmem>>) target(%dma_start3A_373 : memref<10384x128xf32, #tpu.memory_space<vmem_shared>>) offsets(%dma_start3A_370 : memref<128xi32, #tpu.memory_space<vmem>>) semaphore(%run_scoped3A_367 : memref<!tpu.dma_semaphore, #tpu.memory_space<semaphore_mem>>) {add = true}
        %dma_wait3A_374 = arith.constant 0 : i32
        %dma_wait3A_375 = tpu.memref_slice %arg8[%rem3A_58, %run_scoped3A_114, %dma_wait3A_374] : memref<2x16x128xi32, #tpu.memory_space<vmem>> -> memref<1x1x128xi32, #tpu.memory_space<vmem>>
        %dma_wait3A_376 = tpu.memref_squeeze %dma_wait3A_375 : memref<1x1x128xi32, #tpu.memory_space<vmem>> -> memref<128xi32, #tpu.memory_space<vmem>>
        %dma_wait3A_377 = arith.constant 0 : i32
        %dma_wait3A_378 = arith.constant 0 : i32
        %dma_wait3A_379 = tpu.memref_slice %arg6[%dma_wait3A_377, %dma_wait3A_378] : memref<10384x128xf32, #tpu.memory_space<vmem_shared>> -> memref<10384x128xf32, #tpu.memory_space<vmem_shared>>
        tpu.wait_indirect_dma semaphore(%run_scoped3A_367 : memref<!tpu.dma_semaphore, #tpu.memory_space<semaphore_mem>>) src(%arg10 : memref<128x128xf32, #tpu.memory_space<vmem>>) dst(%dma_wait3A_379 : memref<10384x128xf32, #tpu.memory_space<vmem_shared>>)
        tpu.yield
      }) : () -> ()
      %mul3A_115 = arith.constant 16 : i32
      %mul3A_116 = arith.muli %scan3A_57, %mul3A_115 : i32
      %add3A_117 = arith.constant 2 : i32
      %add3A_118 = arith.addi %mul3A_116, %add3A_117 : i32
      %add3A_119 = arith.constant 1 : i32
      %add3A_120 = arith.addi %add3A_118, %add3A_119 : i32
      %lt3A_121 = arith.constant 80 : i32
      %lt3A_122 = arith.cmpi slt, %add3A_120, %lt3A_121 : i32
      %convert_element_type3A_123 = arith.extui %lt3A_122 : i1 to i32
      %cond3A_124 = arith.constant 0 : i32
      %cond3A_125 = arith.cmpi ne, %convert_element_type3A_123, %cond3A_124 : i32
      scf.if %cond3A_125 {
        %add3A_367 = arith.constant 1 : i32
        %add3A_368 = arith.addi %add3A_118, %add3A_367 : i32
        %dma_start3A_369 = arith.constant 0 : i32
        %dma_start3A_370 = tpu.memref_slice %arg7[%add3A_368, %dma_start3A_369] : memref<80x128xi32, #tpu.memory_space<vmem>> -> memref<1x128xi32, #tpu.memory_space<vmem>>
        %dma_start3A_371 = tpu.memref_squeeze %dma_start3A_370 : memref<1x128xi32, #tpu.memory_space<vmem>> -> memref<128xi32, #tpu.memory_space<vmem>>
        %dma_start3A_372 = arith.constant 0 : i32
        %dma_start3A_373 = arith.constant 0 : i32
        %dma_start3A_374 = tpu.memref_slice %arg2[%dma_start3A_372, %dma_start3A_373] : memref<10000x128xf32, #tpu.memory_space<hbm>> -> memref<10000x128xf32, #tpu.memory_space<hbm>>
        tpu.enqueue_indirect_dma source(%dma_start3A_374 : memref<10000x128xf32, #tpu.memory_space<hbm>>) target(%arg10 : memref<128x128xf32, #tpu.memory_space<vmem>>) offsets(%dma_start3A_371 : memref<128xi32, #tpu.memory_space<vmem>>) semaphore(%arg11 : memref<!tpu.dma_semaphore, #tpu.memory_space<semaphore_mem>>)
      } else {
      }
      %dma_wait3A_126 = arith.constant 0 : i32
      %dma_wait3A_127 = tpu.memref_slice %arg7[%add3A_118, %dma_wait3A_126] : memref<80x128xi32, #tpu.memory_space<vmem>> -> memref<1x128xi32, #tpu.memory_space<vmem>>
      %dma_wait3A_128 = tpu.memref_squeeze %dma_wait3A_127 : memref<1x128xi32, #tpu.memory_space<vmem>> -> memref<128xi32, #tpu.memory_space<vmem>>
      %dma_wait3A_129 = arith.constant 0 : i32
      %dma_wait3A_130 = arith.constant 0 : i32
      %dma_wait3A_131 = tpu.memref_slice %arg2[%dma_wait3A_129, %dma_wait3A_130] : memref<10000x128xf32, #tpu.memory_space<hbm>> -> memref<10000x128xf32, #tpu.memory_space<hbm>>
      tpu.wait_indirect_dma semaphore(%arg11 : memref<!tpu.dma_semaphore, #tpu.memory_space<semaphore_mem>>) src(%dma_wait3A_131 : memref<10000x128xf32, #tpu.memory_space<hbm>>) dst(%arg9 : memref<128x128xf32, #tpu.memory_space<vmem>>)
      %run_scoped3A_132 = arith.constant 2 : i32
      "tpu.region"() ({
        %run_scoped3A_367 = tpu.sem_alloc : memref<!tpu.dma_semaphore, #tpu.memory_space<semaphore_mem>>
        %dma_start3A_368 = arith.constant 0 : i32
        %dma_start3A_369 = tpu.memref_slice %arg8[%rem3A_58, %run_scoped3A_132, %dma_start3A_368] : memref<2x16x128xi32, #tpu.memory_space<vmem>> -> memref<1x1x128xi32, #tpu.memory_space<vmem>>
        %dma_start3A_370 = tpu.memref_squeeze %dma_start3A_369 : memref<1x1x128xi32, #tpu.memory_space<vmem>> -> memref<128xi32, #tpu.memory_space<vmem>>
        %dma_start3A_371 = arith.constant 0 : i32
        %dma_start3A_372 = arith.constant 0 : i32
        %dma_start3A_373 = tpu.memref_slice %arg6[%dma_start3A_371, %dma_start3A_372] : memref<10384x128xf32, #tpu.memory_space<vmem_shared>> -> memref<10384x128xf32, #tpu.memory_space<vmem_shared>>
        tpu.enqueue_indirect_dma source(%arg9 : memref<128x128xf32, #tpu.memory_space<vmem>>) target(%dma_start3A_373 : memref<10384x128xf32, #tpu.memory_space<vmem_shared>>) offsets(%dma_start3A_370 : memref<128xi32, #tpu.memory_space<vmem>>) semaphore(%run_scoped3A_367 : memref<!tpu.dma_semaphore, #tpu.memory_space<semaphore_mem>>) {add = true}
        %dma_wait3A_374 = arith.constant 0 : i32
        %dma_wait3A_375 = tpu.memref_slice %arg8[%rem3A_58, %run_scoped3A_132, %dma_wait3A_374] : memref<2x16x128xi32, #tpu.memory_space<vmem>> -> memref<1x1x128xi32, #tpu.memory_space<vmem>>
        %dma_wait3A_376 = tpu.memref_squeeze %dma_wait3A_375 : memref<1x1x128xi32, #tpu.memory_space<vmem>> -> memref<128xi32, #tpu.memory_space<vmem>>
        %dma_wait3A_377 = arith.constant 0 : i32
        %dma_wait3A_378 = arith.constant 0 : i32
        %dma_wait3A_379 = tpu.memref_slice %arg6[%dma_wait3A_377, %dma_wait3A_378] : memref<10384x128xf32, #tpu.memory_space<vmem_shared>> -> memref<10384x128xf32, #tpu.memory_space<vmem_shared>>
        tpu.wait_indirect_dma semaphore(%run_scoped3A_367 : memref<!tpu.dma_semaphore, #tpu.memory_space<semaphore_mem>>) src(%arg9 : memref<128x128xf32, #tpu.memory_space<vmem>>) dst(%dma_wait3A_379 : memref<10384x128xf32, #tpu.memory_space<vmem_shared>>)
        tpu.yield
      }) : () -> ()
      %mul3A_133 = arith.constant 16 : i32
      %mul3A_134 = arith.muli %scan3A_57, %mul3A_133 : i32
      %add3A_135 = arith.constant 3 : i32
      %add3A_136 = arith.addi %mul3A_134, %add3A_135 : i32
      %add3A_137 = arith.constant 1 : i32
      %add3A_138 = arith.addi %add3A_136, %add3A_137 : i32
      %lt3A_139 = arith.constant 80 : i32
      %lt3A_140 = arith.cmpi slt, %add3A_138, %lt3A_139 : i32
      %convert_element_type3A_141 = arith.extui %lt3A_140 : i1 to i32
      %cond3A_142 = arith.constant 0 : i32
      %cond3A_143 = arith.cmpi ne, %convert_element_type3A_141, %cond3A_142 : i32
      scf.if %cond3A_143 {
        %add3A_367 = arith.constant 1 : i32
        %add3A_368 = arith.addi %add3A_136, %add3A_367 : i32
        %dma_start3A_369 = arith.constant 0 : i32
        %dma_start3A_370 = tpu.memref_slice %arg7[%add3A_368, %dma_start3A_369] : memref<80x128xi32, #tpu.memory_space<vmem>> -> memref<1x128xi32, #tpu.memory_space<vmem>>
        %dma_start3A_371 = tpu.memref_squeeze %dma_start3A_370 : memref<1x128xi32, #tpu.memory_space<vmem>> -> memref<128xi32, #tpu.memory_space<vmem>>
        %dma_start3A_372 = arith.constant 0 : i32
        %dma_start3A_373 = arith.constant 0 : i32
        %dma_start3A_374 = tpu.memref_slice %arg2[%dma_start3A_372, %dma_start3A_373] : memref<10000x128xf32, #tpu.memory_space<hbm>> -> memref<10000x128xf32, #tpu.memory_space<hbm>>
        tpu.enqueue_indirect_dma source(%dma_start3A_374 : memref<10000x128xf32, #tpu.memory_space<hbm>>) target(%arg9 : memref<128x128xf32, #tpu.memory_space<vmem>>) offsets(%dma_start3A_371 : memref<128xi32, #tpu.memory_space<vmem>>) semaphore(%arg11 : memref<!tpu.dma_semaphore, #tpu.memory_space<semaphore_mem>>)
      } else {
      }
      %dma_wait3A_144 = arith.constant 0 : i32
      %dma_wait3A_145 = tpu.memref_slice %arg7[%add3A_136, %dma_wait3A_144] : memref<80x128xi32, #tpu.memory_space<vmem>> -> memref<1x128xi32, #tpu.memory_space<vmem>>
      %dma_wait3A_146 = tpu.memref_squeeze %dma_wait3A_145 : memref<1x128xi32, #tpu.memory_space<vmem>> -> memref<128xi32, #tpu.memory_space<vmem>>
      %dma_wait3A_147 = arith.constant 0 : i32
      %dma_wait3A_148 = arith.constant 0 : i32
      %dma_wait3A_149 = tpu.memref_slice %arg2[%dma_wait3A_147, %dma_wait3A_148] : memref<10000x128xf32, #tpu.memory_space<hbm>> -> memref<10000x128xf32, #tpu.memory_space<hbm>>
      tpu.wait_indirect_dma semaphore(%arg11 : memref<!tpu.dma_semaphore, #tpu.memory_space<semaphore_mem>>) src(%dma_wait3A_149 : memref<10000x128xf32, #tpu.memory_space<hbm>>) dst(%arg10 : memref<128x128xf32, #tpu.memory_space<vmem>>)
      %run_scoped3A_150 = arith.constant 3 : i32
      "tpu.region"() ({
        %run_scoped3A_367 = tpu.sem_alloc : memref<!tpu.dma_semaphore, #tpu.memory_space<semaphore_mem>>
        %dma_start3A_368 = arith.constant 0 : i32
        %dma_start3A_369 = tpu.memref_slice %arg8[%rem3A_58, %run_scoped3A_150, %dma_start3A_368] : memref<2x16x128xi32, #tpu.memory_space<vmem>> -> memref<1x1x128xi32, #tpu.memory_space<vmem>>
        %dma_start3A_370 = tpu.memref_squeeze %dma_start3A_369 : memref<1x1x128xi32, #tpu.memory_space<vmem>> -> memref<128xi32, #tpu.memory_space<vmem>>
        %dma_start3A_371 = arith.constant 0 : i32
        %dma_start3A_372 = arith.constant 0 : i32
        %dma_start3A_373 = tpu.memref_slice %arg6[%dma_start3A_371, %dma_start3A_372] : memref<10384x128xf32, #tpu.memory_space<vmem_shared>> -> memref<10384x128xf32, #tpu.memory_space<vmem_shared>>
        tpu.enqueue_indirect_dma source(%arg10 : memref<128x128xf32, #tpu.memory_space<vmem>>) target(%dma_start3A_373 : memref<10384x128xf32, #tpu.memory_space<vmem_shared>>) offsets(%dma_start3A_370 : memref<128xi32, #tpu.memory_space<vmem>>) semaphore(%run_scoped3A_367 : memref<!tpu.dma_semaphore, #tpu.memory_space<semaphore_mem>>) {add = true}
        %dma_wait3A_374 = arith.constant 0 : i32
        %dma_wait3A_375 = tpu.memref_slice %arg8[%rem3A_58, %run_scoped3A_150, %dma_wait3A_374] : memref<2x16x128xi32, #tpu.memory_space<vmem>> -> memref<1x1x128xi32, #tpu.memory_space<vmem>>
        %dma_wait3A_376 = tpu.memref_squeeze %dma_wait3A_375 : memref<1x1x128xi32, #tpu.memory_space<vmem>> -> memref<128xi32, #tpu.memory_space<vmem>>
        %dma_wait3A_377 = arith.constant 0 : i32
        %dma_wait3A_378 = arith.constant 0 : i32
        %dma_wait3A_379 = tpu.memref_slice %arg6[%dma_wait3A_377, %dma_wait3A_378] : memref<10384x128xf32, #tpu.memory_space<vmem_shared>> -> memref<10384x128xf32, #tpu.memory_space<vmem_shared>>
        tpu.wait_indirect_dma semaphore(%run_scoped3A_367 : memref<!tpu.dma_semaphore, #tpu.memory_space<semaphore_mem>>) src(%arg10 : memref<128x128xf32, #tpu.memory_space<vmem>>) dst(%dma_wait3A_379 : memref<10384x128xf32, #tpu.memory_space<vmem_shared>>)
        tpu.yield
      }) : () -> ()
      %mul3A_151 = arith.constant 16 : i32
      %mul3A_152 = arith.muli %scan3A_57, %mul3A_151 : i32
      %add3A_153 = arith.constant 4 : i32
      %add3A_154 = arith.addi %mul3A_152, %add3A_153 : i32
      %add3A_155 = arith.constant 1 : i32
      %add3A_156 = arith.addi %add3A_154, %add3A_155 : i32
      %lt3A_157 = arith.constant 80 : i32
      %lt3A_158 = arith.cmpi slt, %add3A_156, %lt3A_157 : i32
      %convert_element_type3A_159 = arith.extui %lt3A_158 : i1 to i32
      %cond3A_160 = arith.constant 0 : i32
      %cond3A_161 = arith.cmpi ne, %convert_element_type3A_159, %cond3A_160 : i32
      scf.if %cond3A_161 {
        %add3A_367 = arith.constant 1 : i32
        %add3A_368 = arith.addi %add3A_154, %add3A_367 : i32
        %dma_start3A_369 = arith.constant 0 : i32
        %dma_start3A_370 = tpu.memref_slice %arg7[%add3A_368, %dma_start3A_369] : memref<80x128xi32, #tpu.memory_space<vmem>> -> memref<1x128xi32, #tpu.memory_space<vmem>>
        %dma_start3A_371 = tpu.memref_squeeze %dma_start3A_370 : memref<1x128xi32, #tpu.memory_space<vmem>> -> memref<128xi32, #tpu.memory_space<vmem>>
        %dma_start3A_372 = arith.constant 0 : i32
        %dma_start3A_373 = arith.constant 0 : i32
        %dma_start3A_374 = tpu.memref_slice %arg2[%dma_start3A_372, %dma_start3A_373] : memref<10000x128xf32, #tpu.memory_space<hbm>> -> memref<10000x128xf32, #tpu.memory_space<hbm>>
        tpu.enqueue_indirect_dma source(%dma_start3A_374 : memref<10000x128xf32, #tpu.memory_space<hbm>>) target(%arg10 : memref<128x128xf32, #tpu.memory_space<vmem>>) offsets(%dma_start3A_371 : memref<128xi32, #tpu.memory_space<vmem>>) semaphore(%arg11 : memref<!tpu.dma_semaphore, #tpu.memory_space<semaphore_mem>>)
      } else {
      }
      %dma_wait3A_162 = arith.constant 0 : i32
      %dma_wait3A_163 = tpu.memref_slice %arg7[%add3A_154, %dma_wait3A_162] : memref<80x128xi32, #tpu.memory_space<vmem>> -> memref<1x128xi32, #tpu.memory_space<vmem>>
      %dma_wait3A_164 = tpu.memref_squeeze %dma_wait3A_163 : memref<1x128xi32, #tpu.memory_space<vmem>> -> memref<128xi32, #tpu.memory_space<vmem>>
      %dma_wait3A_165 = arith.constant 0 : i32
      %dma_wait3A_166 = arith.constant 0 : i32
      %dma_wait3A_167 = tpu.memref_slice %arg2[%dma_wait3A_165, %dma_wait3A_166] : memref<10000x128xf32, #tpu.memory_space<hbm>> -> memref<10000x128xf32, #tpu.memory_space<hbm>>
      tpu.wait_indirect_dma semaphore(%arg11 : memref<!tpu.dma_semaphore, #tpu.memory_space<semaphore_mem>>) src(%dma_wait3A_167 : memref<10000x128xf32, #tpu.memory_space<hbm>>) dst(%arg9 : memref<128x128xf32, #tpu.memory_space<vmem>>)
      %run_scoped3A_168 = arith.constant 4 : i32
      "tpu.region"() ({
        %run_scoped3A_367 = tpu.sem_alloc : memref<!tpu.dma_semaphore, #tpu.memory_space<semaphore_mem>>
        %dma_start3A_368 = arith.constant 0 : i32
        %dma_start3A_369 = tpu.memref_slice %arg8[%rem3A_58, %run_scoped3A_168, %dma_start3A_368] : memref<2x16x128xi32, #tpu.memory_space<vmem>> -> memref<1x1x128xi32, #tpu.memory_space<vmem>>
        %dma_start3A_370 = tpu.memref_squeeze %dma_start3A_369 : memref<1x1x128xi32, #tpu.memory_space<vmem>> -> memref<128xi32, #tpu.memory_space<vmem>>
        %dma_start3A_371 = arith.constant 0 : i32
        %dma_start3A_372 = arith.constant 0 : i32
        %dma_start3A_373 = tpu.memref_slice %arg6[%dma_start3A_371, %dma_start3A_372] : memref<10384x128xf32, #tpu.memory_space<vmem_shared>> -> memref<10384x128xf32, #tpu.memory_space<vmem_shared>>
        tpu.enqueue_indirect_dma source(%arg9 : memref<128x128xf32, #tpu.memory_space<vmem>>) target(%dma_start3A_373 : memref<10384x128xf32, #tpu.memory_space<vmem_shared>>) offsets(%dma_start3A_370 : memref<128xi32, #tpu.memory_space<vmem>>) semaphore(%run_scoped3A_367 : memref<!tpu.dma_semaphore, #tpu.memory_space<semaphore_mem>>) {add = true}
        %dma_wait3A_374 = arith.constant 0 : i32
        %dma_wait3A_375 = tpu.memref_slice %arg8[%rem3A_58, %run_scoped3A_168, %dma_wait3A_374] : memref<2x16x128xi32, #tpu.memory_space<vmem>> -> memref<1x1x128xi32, #tpu.memory_space<vmem>>
        %dma_wait3A_376 = tpu.memref_squeeze %dma_wait3A_375 : memref<1x1x128xi32, #tpu.memory_space<vmem>> -> memref<128xi32, #tpu.memory_space<vmem>>
        %dma_wait3A_377 = arith.constant 0 : i32
        %dma_wait3A_378 = arith.constant 0 : i32
        %dma_wait3A_379 = tpu.memref_slice %arg6[%dma_wait3A_377, %dma_wait3A_378] : memref<10384x128xf32, #tpu.memory_space<vmem_shared>> -> memref<10384x128xf32, #tpu.memory_space<vmem_shared>>
        tpu.wait_indirect_dma semaphore(%run_scoped3A_367 : memref<!tpu.dma_semaphore, #tpu.memory_space<semaphore_mem>>) src(%arg9 : memref<128x128xf32, #tpu.memory_space<vmem>>) dst(%dma_wait3A_379 : memref<10384x128xf32, #tpu.memory_space<vmem_shared>>)
        tpu.yield
      }) : () -> ()
      %mul3A_169 = arith.constant 16 : i32
      %mul3A_170 = arith.muli %scan3A_57, %mul3A_169 : i32
      %add3A_171 = arith.constant 5 : i32
      %add3A_172 = arith.addi %mul3A_170, %add3A_171 : i32
      %add3A_173 = arith.constant 1 : i32
      %add3A_174 = arith.addi %add3A_172, %add3A_173 : i32
      %lt3A_175 = arith.constant 80 : i32
      %lt3A_176 = arith.cmpi slt, %add3A_174, %lt3A_175 : i32
      %convert_element_type3A_177 = arith.extui %lt3A_176 : i1 to i32
      %cond3A_178 = arith.constant 0 : i32
      %cond3A_179 = arith.cmpi ne, %convert_element_type3A_177, %cond3A_178 : i32
      scf.if %cond3A_179 {
        %add3A_367 = arith.constant 1 : i32
        %add3A_368 = arith.addi %add3A_172, %add3A_367 : i32
        %dma_start3A_369 = arith.constant 0 : i32
        %dma_start3A_370 = tpu.memref_slice %arg7[%add3A_368, %dma_start3A_369] : memref<80x128xi32, #tpu.memory_space<vmem>> -> memref<1x128xi32, #tpu.memory_space<vmem>>
        %dma_start3A_371 = tpu.memref_squeeze %dma_start3A_370 : memref<1x128xi32, #tpu.memory_space<vmem>> -> memref<128xi32, #tpu.memory_space<vmem>>
        %dma_start3A_372 = arith.constant 0 : i32
        %dma_start3A_373 = arith.constant 0 : i32
        %dma_start3A_374 = tpu.memref_slice %arg2[%dma_start3A_372, %dma_start3A_373] : memref<10000x128xf32, #tpu.memory_space<hbm>> -> memref<10000x128xf32, #tpu.memory_space<hbm>>
        tpu.enqueue_indirect_dma source(%dma_start3A_374 : memref<10000x128xf32, #tpu.memory_space<hbm>>) target(%arg9 : memref<128x128xf32, #tpu.memory_space<vmem>>) offsets(%dma_start3A_371 : memref<128xi32, #tpu.memory_space<vmem>>) semaphore(%arg11 : memref<!tpu.dma_semaphore, #tpu.memory_space<semaphore_mem>>)
      } else {
      }
      %dma_wait3A_180 = arith.constant 0 : i32
      %dma_wait3A_181 = tpu.memref_slice %arg7[%add3A_172, %dma_wait3A_180] : memref<80x128xi32, #tpu.memory_space<vmem>> -> memref<1x128xi32, #tpu.memory_space<vmem>>
      %dma_wait3A_182 = tpu.memref_squeeze %dma_wait3A_181 : memref<1x128xi32, #tpu.memory_space<vmem>> -> memref<128xi32, #tpu.memory_space<vmem>>
      %dma_wait3A_183 = arith.constant 0 : i32
      %dma_wait3A_184 = arith.constant 0 : i32
      %dma_wait3A_185 = tpu.memref_slice %arg2[%dma_wait3A_183, %dma_wait3A_184] : memref<10000x128xf32, #tpu.memory_space<hbm>> -> memref<10000x128xf32, #tpu.memory_space<hbm>>
      tpu.wait_indirect_dma semaphore(%arg11 : memref<!tpu.dma_semaphore, #tpu.memory_space<semaphore_mem>>) src(%dma_wait3A_185 : memref<10000x128xf32, #tpu.memory_space<hbm>>) dst(%arg10 : memref<128x128xf32, #tpu.memory_space<vmem>>)
      %run_scoped3A_186 = arith.constant 5 : i32
      "tpu.region"() ({
        %run_scoped3A_367 = tpu.sem_alloc : memref<!tpu.dma_semaphore, #tpu.memory_space<semaphore_mem>>
        %dma_start3A_368 = arith.constant 0 : i32
        %dma_start3A_369 = tpu.memref_slice %arg8[%rem3A_58, %run_scoped3A_186, %dma_start3A_368] : memref<2x16x128xi32, #tpu.memory_space<vmem>> -> memref<1x1x128xi32, #tpu.memory_space<vmem>>
        %dma_start3A_370 = tpu.memref_squeeze %dma_start3A_369 : memref<1x1x128xi32, #tpu.memory_space<vmem>> -> memref<128xi32, #tpu.memory_space<vmem>>
        %dma_start3A_371 = arith.constant 0 : i32
        %dma_start3A_372 = arith.constant 0 : i32
        %dma_start3A_373 = tpu.memref_slice %arg6[%dma_start3A_371, %dma_start3A_372] : memref<10384x128xf32, #tpu.memory_space<vmem_shared>> -> memref<10384x128xf32, #tpu.memory_space<vmem_shared>>
        tpu.enqueue_indirect_dma source(%arg10 : memref<128x128xf32, #tpu.memory_space<vmem>>) target(%dma_start3A_373 : memref<10384x128xf32, #tpu.memory_space<vmem_shared>>) offsets(%dma_start3A_370 : memref<128xi32, #tpu.memory_space<vmem>>) semaphore(%run_scoped3A_367 : memref<!tpu.dma_semaphore, #tpu.memory_space<semaphore_mem>>) {add = true}
        %dma_wait3A_374 = arith.constant 0 : i32
        %dma_wait3A_375 = tpu.memref_slice %arg8[%rem3A_58, %run_scoped3A_186, %dma_wait3A_374] : memref<2x16x128xi32, #tpu.memory_space<vmem>> -> memref<1x1x128xi32, #tpu.memory_space<vmem>>
        %dma_wait3A_376 = tpu.memref_squeeze %dma_wait3A_375 : memref<1x1x128xi32, #tpu.memory_space<vmem>> -> memref<128xi32, #tpu.memory_space<vmem>>
        %dma_wait3A_377 = arith.constant 0 : i32
        %dma_wait3A_378 = arith.constant 0 : i32
        %dma_wait3A_379 = tpu.memref_slice %arg6[%dma_wait3A_377, %dma_wait3A_378] : memref<10384x128xf32, #tpu.memory_space<vmem_shared>> -> memref<10384x128xf32, #tpu.memory_space<vmem_shared>>
        tpu.wait_indirect_dma semaphore(%run_scoped3A_367 : memref<!tpu.dma_semaphore, #tpu.memory_space<semaphore_mem>>) src(%arg10 : memref<128x128xf32, #tpu.memory_space<vmem>>) dst(%dma_wait3A_379 : memref<10384x128xf32, #tpu.memory_space<vmem_shared>>)
        tpu.yield
      }) : () -> ()
      %mul3A_187 = arith.constant 16 : i32
      %mul3A_188 = arith.muli %scan3A_57, %mul3A_187 : i32
      %add3A_189 = arith.constant 6 : i32
      %add3A_190 = arith.addi %mul3A_188, %add3A_189 : i32
      %add3A_191 = arith.constant 1 : i32
      %add3A_192 = arith.addi %add3A_190, %add3A_191 : i32
      %lt3A_193 = arith.constant 80 : i32
      %lt3A_194 = arith.cmpi slt, %add3A_192, %lt3A_193 : i32
      %convert_element_type3A_195 = arith.extui %lt3A_194 : i1 to i32
      %cond3A_196 = arith.constant 0 : i32
      %cond3A_197 = arith.cmpi ne, %convert_element_type3A_195, %cond3A_196 : i32
      scf.if %cond3A_197 {
        %add3A_367 = arith.constant 1 : i32
        %add3A_368 = arith.addi %add3A_190, %add3A_367 : i32
        %dma_start3A_369 = arith.constant 0 : i32
        %dma_start3A_370 = tpu.memref_slice %arg7[%add3A_368, %dma_start3A_369] : memref<80x128xi32, #tpu.memory_space<vmem>> -> memref<1x128xi32, #tpu.memory_space<vmem>>
        %dma_start3A_371 = tpu.memref_squeeze %dma_start3A_370 : memref<1x128xi32, #tpu.memory_space<vmem>> -> memref<128xi32, #tpu.memory_space<vmem>>
        %dma_start3A_372 = arith.constant 0 : i32
        %dma_start3A_373 = arith.constant 0 : i32
        %dma_start3A_374 = tpu.memref_slice %arg2[%dma_start3A_372, %dma_start3A_373] : memref<10000x128xf32, #tpu.memory_space<hbm>> -> memref<10000x128xf32, #tpu.memory_space<hbm>>
        tpu.enqueue_indirect_dma source(%dma_start3A_374 : memref<10000x128xf32, #tpu.memory_space<hbm>>) target(%arg10 : memref<128x128xf32, #tpu.memory_space<vmem>>) offsets(%dma_start3A_371 : memref<128xi32, #tpu.memory_space<vmem>>) semaphore(%arg11 : memref<!tpu.dma_semaphore, #tpu.memory_space<semaphore_mem>>)
      } else {
      }
      %dma_wait3A_198 = arith.constant 0 : i32
      %dma_wait3A_199 = tpu.memref_slice %arg7[%add3A_190, %dma_wait3A_198] : memref<80x128xi32, #tpu.memory_space<vmem>> -> memref<1x128xi32, #tpu.memory_space<vmem>>
      %dma_wait3A_200 = tpu.memref_squeeze %dma_wait3A_199 : memref<1x128xi32, #tpu.memory_space<vmem>> -> memref<128xi32, #tpu.memory_space<vmem>>
      %dma_wait3A_201 = arith.constant 0 : i32
      %dma_wait3A_202 = arith.constant 0 : i32
      %dma_wait3A_203 = tpu.memref_slice %arg2[%dma_wait3A_201, %dma_wait3A_202] : memref<10000x128xf32, #tpu.memory_space<hbm>> -> memref<10000x128xf32, #tpu.memory_space<hbm>>
      tpu.wait_indirect_dma semaphore(%arg11 : memref<!tpu.dma_semaphore, #tpu.memory_space<semaphore_mem>>) src(%dma_wait3A_203 : memref<10000x128xf32, #tpu.memory_space<hbm>>) dst(%arg9 : memref<128x128xf32, #tpu.memory_space<vmem>>)
      %run_scoped3A_204 = arith.constant 6 : i32
      "tpu.region"() ({
        %run_scoped3A_367 = tpu.sem_alloc : memref<!tpu.dma_semaphore, #tpu.memory_space<semaphore_mem>>
        %dma_start3A_368 = arith.constant 0 : i32
        %dma_start3A_369 = tpu.memref_slice %arg8[%rem3A_58, %run_scoped3A_204, %dma_start3A_368] : memref<2x16x128xi32, #tpu.memory_space<vmem>> -> memref<1x1x128xi32, #tpu.memory_space<vmem>>
        %dma_start3A_370 = tpu.memref_squeeze %dma_start3A_369 : memref<1x1x128xi32, #tpu.memory_space<vmem>> -> memref<128xi32, #tpu.memory_space<vmem>>
        %dma_start3A_371 = arith.constant 0 : i32
        %dma_start3A_372 = arith.constant 0 : i32
        %dma_start3A_373 = tpu.memref_slice %arg6[%dma_start3A_371, %dma_start3A_372] : memref<10384x128xf32, #tpu.memory_space<vmem_shared>> -> memref<10384x128xf32, #tpu.memory_space<vmem_shared>>
        tpu.enqueue_indirect_dma source(%arg9 : memref<128x128xf32, #tpu.memory_space<vmem>>) target(%dma_start3A_373 : memref<10384x128xf32, #tpu.memory_space<vmem_shared>>) offsets(%dma_start3A_370 : memref<128xi32, #tpu.memory_space<vmem>>) semaphore(%run_scoped3A_367 : memref<!tpu.dma_semaphore, #tpu.memory_space<semaphore_mem>>) {add = true}
        %dma_wait3A_374 = arith.constant 0 : i32
        %dma_wait3A_375 = tpu.memref_slice %arg8[%rem3A_58, %run_scoped3A_204, %dma_wait3A_374] : memref<2x16x128xi32, #tpu.memory_space<vmem>> -> memref<1x1x128xi32, #tpu.memory_space<vmem>>
        %dma_wait3A_376 = tpu.memref_squeeze %dma_wait3A_375 : memref<1x1x128xi32, #tpu.memory_space<vmem>> -> memref<128xi32, #tpu.memory_space<vmem>>
        %dma_wait3A_377 = arith.constant 0 : i32
        %dma_wait3A_378 = arith.constant 0 : i32
        %dma_wait3A_379 = tpu.memref_slice %arg6[%dma_wait3A_377, %dma_wait3A_378] : memref<10384x128xf32, #tpu.memory_space<vmem_shared>> -> memref<10384x128xf32, #tpu.memory_space<vmem_shared>>
        tpu.wait_indirect_dma semaphore(%run_scoped3A_367 : memref<!tpu.dma_semaphore, #tpu.memory_space<semaphore_mem>>) src(%arg9 : memref<128x128xf32, #tpu.memory_space<vmem>>) dst(%dma_wait3A_379 : memref<10384x128xf32, #tpu.memory_space<vmem_shared>>)
        tpu.yield
      }) : () -> ()
      %mul3A_205 = arith.constant 16 : i32
      %mul3A_206 = arith.muli %scan3A_57, %mul3A_205 : i32
      %add3A_207 = arith.constant 7 : i32
      %add3A_208 = arith.addi %mul3A_206, %add3A_207 : i32
      %add3A_209 = arith.constant 1 : i32
      %add3A_210 = arith.addi %add3A_208, %add3A_209 : i32
      %lt3A_211 = arith.constant 80 : i32
      %lt3A_212 = arith.cmpi slt, %add3A_210, %lt3A_211 : i32
      %convert_element_type3A_213 = arith.extui %lt3A_212 : i1 to i32
      %cond3A_214 = arith.constant 0 : i32
      %cond3A_215 = arith.cmpi ne, %convert_element_type3A_213, %cond3A_214 : i32
      scf.if %cond3A_215 {
        %add3A_367 = arith.constant 1 : i32
        %add3A_368 = arith.addi %add3A_208, %add3A_367 : i32
        %dma_start3A_369 = arith.constant 0 : i32
        %dma_start3A_370 = tpu.memref_slice %arg7[%add3A_368, %dma_start3A_369] : memref<80x128xi32, #tpu.memory_space<vmem>> -> memref<1x128xi32, #tpu.memory_space<vmem>>
        %dma_start3A_371 = tpu.memref_squeeze %dma_start3A_370 : memref<1x128xi32, #tpu.memory_space<vmem>> -> memref<128xi32, #tpu.memory_space<vmem>>
        %dma_start3A_372 = arith.constant 0 : i32
        %dma_start3A_373 = arith.constant 0 : i32
        %dma_start3A_374 = tpu.memref_slice %arg2[%dma_start3A_372, %dma_start3A_373] : memref<10000x128xf32, #tpu.memory_space<hbm>> -> memref<10000x128xf32, #tpu.memory_space<hbm>>
        tpu.enqueue_indirect_dma source(%dma_start3A_374 : memref<10000x128xf32, #tpu.memory_space<hbm>>) target(%arg9 : memref<128x128xf32, #tpu.memory_space<vmem>>) offsets(%dma_start3A_371 : memref<128xi32, #tpu.memory_space<vmem>>) semaphore(%arg11 : memref<!tpu.dma_semaphore, #tpu.memory_space<semaphore_mem>>)
      } else {
      }
      %dma_wait3A_216 = arith.constant 0 : i32
      %dma_wait3A_217 = tpu.memref_slice %arg7[%add3A_208, %dma_wait3A_216] : memref<80x128xi32, #tpu.memory_space<vmem>> -> memref<1x128xi32, #tpu.memory_space<vmem>>
      %dma_wait3A_218 = tpu.memref_squeeze %dma_wait3A_217 : memref<1x128xi32, #tpu.memory_space<vmem>> -> memref<128xi32, #tpu.memory_space<vmem>>
      %dma_wait3A_219 = arith.constant 0 : i32
      %dma_wait3A_220 = arith.constant 0 : i32
      %dma_wait3A_221 = tpu.memref_slice %arg2[%dma_wait3A_219, %dma_wait3A_220] : memref<10000x128xf32, #tpu.memory_space<hbm>> -> memref<10000x128xf32, #tpu.memory_space<hbm>>
      tpu.wait_indirect_dma semaphore(%arg11 : memref<!tpu.dma_semaphore, #tpu.memory_space<semaphore_mem>>) src(%dma_wait3A_221 : memref<10000x128xf32, #tpu.memory_space<hbm>>) dst(%arg10 : memref<128x128xf32, #tpu.memory_space<vmem>>)
      %run_scoped3A_222 = arith.constant 7 : i32
      "tpu.region"() ({
        %run_scoped3A_367 = tpu.sem_alloc : memref<!tpu.dma_semaphore, #tpu.memory_space<semaphore_mem>>
        %dma_start3A_368 = arith.constant 0 : i32
        %dma_start3A_369 = tpu.memref_slice %arg8[%rem3A_58, %run_scoped3A_222, %dma_start3A_368] : memref<2x16x128xi32, #tpu.memory_space<vmem>> -> memref<1x1x128xi32, #tpu.memory_space<vmem>>
        %dma_start3A_370 = tpu.memref_squeeze %dma_start3A_369 : memref<1x1x128xi32, #tpu.memory_space<vmem>> -> memref<128xi32, #tpu.memory_space<vmem>>
        %dma_start3A_371 = arith.constant 0 : i32
        %dma_start3A_372 = arith.constant 0 : i32
        %dma_start3A_373 = tpu.memref_slice %arg6[%dma_start3A_371, %dma_start3A_372] : memref<10384x128xf32, #tpu.memory_space<vmem_shared>> -> memref<10384x128xf32, #tpu.memory_space<vmem_shared>>
        tpu.enqueue_indirect_dma source(%arg10 : memref<128x128xf32, #tpu.memory_space<vmem>>) target(%dma_start3A_373 : memref<10384x128xf32, #tpu.memory_space<vmem_shared>>) offsets(%dma_start3A_370 : memref<128xi32, #tpu.memory_space<vmem>>) semaphore(%run_scoped3A_367 : memref<!tpu.dma_semaphore, #tpu.memory_space<semaphore_mem>>) {add = true}
        %dma_wait3A_374 = arith.constant 0 : i32
        %dma_wait3A_375 = tpu.memref_slice %arg8[%rem3A_58, %run_scoped3A_222, %dma_wait3A_374] : memref<2x16x128xi32, #tpu.memory_space<vmem>> -> memref<1x1x128xi32, #tpu.memory_space<vmem>>
        %dma_wait3A_376 = tpu.memref_squeeze %dma_wait3A_375 : memref<1x1x128xi32, #tpu.memory_space<vmem>> -> memref<128xi32, #tpu.memory_space<vmem>>
        %dma_wait3A_377 = arith.constant 0 : i32
        %dma_wait3A_378 = arith.constant 0 : i32
        %dma_wait3A_379 = tpu.memref_slice %arg6[%dma_wait3A_377, %dma_wait3A_378] : memref<10384x128xf32, #tpu.memory_space<vmem_shared>> -> memref<10384x128xf32, #tpu.memory_space<vmem_shared>>
        tpu.wait_indirect_dma semaphore(%run_scoped3A_367 : memref<!tpu.dma_semaphore, #tpu.memory_space<semaphore_mem>>) src(%arg10 : memref<128x128xf32, #tpu.memory_space<vmem>>) dst(%dma_wait3A_379 : memref<10384x128xf32, #tpu.memory_space<vmem_shared>>)
        tpu.yield
      }) : () -> ()
      %mul3A_223 = arith.constant 16 : i32
      %mul3A_224 = arith.muli %scan3A_57, %mul3A_223 : i32
      %add3A_225 = arith.constant 8 : i32
      %add3A_226 = arith.addi %mul3A_224, %add3A_225 : i32
      %add3A_227 = arith.constant 1 : i32
      %add3A_228 = arith.addi %add3A_226, %add3A_227 : i32
      %lt3A_229 = arith.constant 80 : i32
      %lt3A_230 = arith.cmpi slt, %add3A_228, %lt3A_229 : i32
      %convert_element_type3A_231 = arith.extui %lt3A_230 : i1 to i32
      %cond3A_232 = arith.constant 0 : i32
      %cond3A_233 = arith.cmpi ne, %convert_element_type3A_231, %cond3A_232 : i32
      scf.if %cond3A_233 {
        %add3A_367 = arith.constant 1 : i32
        %add3A_368 = arith.addi %add3A_226, %add3A_367 : i32
        %dma_start3A_369 = arith.constant 0 : i32
        %dma_start3A_370 = tpu.memref_slice %arg7[%add3A_368, %dma_start3A_369] : memref<80x128xi32, #tpu.memory_space<vmem>> -> memref<1x128xi32, #tpu.memory_space<vmem>>
        %dma_start3A_371 = tpu.memref_squeeze %dma_start3A_370 : memref<1x128xi32, #tpu.memory_space<vmem>> -> memref<128xi32, #tpu.memory_space<vmem>>
        %dma_start3A_372 = arith.constant 0 : i32
        %dma_start3A_373 = arith.constant 0 : i32
        %dma_start3A_374 = tpu.memref_slice %arg2[%dma_start3A_372, %dma_start3A_373] : memref<10000x128xf32, #tpu.memory_space<hbm>> -> memref<10000x128xf32, #tpu.memory_space<hbm>>
        tpu.enqueue_indirect_dma source(%dma_start3A_374 : memref<10000x128xf32, #tpu.memory_space<hbm>>) target(%arg10 : memref<128x128xf32, #tpu.memory_space<vmem>>) offsets(%dma_start3A_371 : memref<128xi32, #tpu.memory_space<vmem>>) semaphore(%arg11 : memref<!tpu.dma_semaphore, #tpu.memory_space<semaphore_mem>>)
      } else {
      }
      %dma_wait3A_234 = arith.constant 0 : i32
      %dma_wait3A_235 = tpu.memref_slice %arg7[%add3A_226, %dma_wait3A_234] : memref<80x128xi32, #tpu.memory_space<vmem>> -> memref<1x128xi32, #tpu.memory_space<vmem>>
      %dma_wait3A_236 = tpu.memref_squeeze %dma_wait3A_235 : memref<1x128xi32, #tpu.memory_space<vmem>> -> memref<128xi32, #tpu.memory_space<vmem>>
      %dma_wait3A_237 = arith.constant 0 : i32
      %dma_wait3A_238 = arith.constant 0 : i32
      %dma_wait3A_239 = tpu.memref_slice %arg2[%dma_wait3A_237, %dma_wait3A_238] : memref<10000x128xf32, #tpu.memory_space<hbm>> -> memref<10000x128xf32, #tpu.memory_space<hbm>>
      tpu.wait_indirect_dma semaphore(%arg11 : memref<!tpu.dma_semaphore, #tpu.memory_space<semaphore_mem>>) src(%dma_wait3A_239 : memref<10000x128xf32, #tpu.memory_space<hbm>>) dst(%arg9 : memref<128x128xf32, #tpu.memory_space<vmem>>)
      %run_scoped3A_240 = arith.constant 8 : i32
      "tpu.region"() ({
        %run_scoped3A_367 = tpu.sem_alloc : memref<!tpu.dma_semaphore, #tpu.memory_space<semaphore_mem>>
        %dma_start3A_368 = arith.constant 0 : i32
        %dma_start3A_369 = tpu.memref_slice %arg8[%rem3A_58, %run_scoped3A_240, %dma_start3A_368] : memref<2x16x128xi32, #tpu.memory_space<vmem>> -> memref<1x1x128xi32, #tpu.memory_space<vmem>>
        %dma_start3A_370 = tpu.memref_squeeze %dma_start3A_369 : memref<1x1x128xi32, #tpu.memory_space<vmem>> -> memref<128xi32, #tpu.memory_space<vmem>>
        %dma_start3A_371 = arith.constant 0 : i32
        %dma_start3A_372 = arith.constant 0 : i32
        %dma_start3A_373 = tpu.memref_slice %arg6[%dma_start3A_371, %dma_start3A_372] : memref<10384x128xf32, #tpu.memory_space<vmem_shared>> -> memref<10384x128xf32, #tpu.memory_space<vmem_shared>>
        tpu.enqueue_indirect_dma source(%arg9 : memref<128x128xf32, #tpu.memory_space<vmem>>) target(%dma_start3A_373 : memref<10384x128xf32, #tpu.memory_space<vmem_shared>>) offsets(%dma_start3A_370 : memref<128xi32, #tpu.memory_space<vmem>>) semaphore(%run_scoped3A_367 : memref<!tpu.dma_semaphore, #tpu.memory_space<semaphore_mem>>) {add = true}
        %dma_wait3A_374 = arith.constant 0 : i32
        %dma_wait3A_375 = tpu.memref_slice %arg8[%rem3A_58, %run_scoped3A_240, %dma_wait3A_374] : memref<2x16x128xi32, #tpu.memory_space<vmem>> -> memref<1x1x128xi32, #tpu.memory_space<vmem>>
        %dma_wait3A_376 = tpu.memref_squeeze %dma_wait3A_375 : memref<1x1x128xi32, #tpu.memory_space<vmem>> -> memref<128xi32, #tpu.memory_space<vmem>>
        %dma_wait3A_377 = arith.constant 0 : i32
        %dma_wait3A_378 = arith.constant 0 : i32
        %dma_wait3A_379 = tpu.memref_slice %arg6[%dma_wait3A_377, %dma_wait3A_378] : memref<10384x128xf32, #tpu.memory_space<vmem_shared>> -> memref<10384x128xf32, #tpu.memory_space<vmem_shared>>
        tpu.wait_indirect_dma semaphore(%run_scoped3A_367 : memref<!tpu.dma_semaphore, #tpu.memory_space<semaphore_mem>>) src(%arg9 : memref<128x128xf32, #tpu.memory_space<vmem>>) dst(%dma_wait3A_379 : memref<10384x128xf32, #tpu.memory_space<vmem_shared>>)
        tpu.yield
      }) : () -> ()
      %mul3A_241 = arith.constant 16 : i32
      %mul3A_242 = arith.muli %scan3A_57, %mul3A_241 : i32
      %add3A_243 = arith.constant 9 : i32
      %add3A_244 = arith.addi %mul3A_242, %add3A_243 : i32
      %add3A_245 = arith.constant 1 : i32
      %add3A_246 = arith.addi %add3A_244, %add3A_245 : i32
      %lt3A_247 = arith.constant 80 : i32
      %lt3A_248 = arith.cmpi slt, %add3A_246, %lt3A_247 : i32
      %convert_element_type3A_249 = arith.extui %lt3A_248 : i1 to i32
      %cond3A_250 = arith.constant 0 : i32
      %cond3A_251 = arith.cmpi ne, %convert_element_type3A_249, %cond3A_250 : i32
      scf.if %cond3A_251 {
        %add3A_367 = arith.constant 1 : i32
        %add3A_368 = arith.addi %add3A_244, %add3A_367 : i32
        %dma_start3A_369 = arith.constant 0 : i32
        %dma_start3A_370 = tpu.memref_slice %arg7[%add3A_368, %dma_start3A_369] : memref<80x128xi32, #tpu.memory_space<vmem>> -> memref<1x128xi32, #tpu.memory_space<vmem>>
        %dma_start3A_371 = tpu.memref_squeeze %dma_start3A_370 : memref<1x128xi32, #tpu.memory_space<vmem>> -> memref<128xi32, #tpu.memory_space<vmem>>
        %dma_start3A_372 = arith.constant 0 : i32
        %dma_start3A_373 = arith.constant 0 : i32
        %dma_start3A_374 = tpu.memref_slice %arg2[%dma_start3A_372, %dma_start3A_373] : memref<10000x128xf32, #tpu.memory_space<hbm>> -> memref<10000x128xf32, #tpu.memory_space<hbm>>
        tpu.enqueue_indirect_dma source(%dma_start3A_374 : memref<10000x128xf32, #tpu.memory_space<hbm>>) target(%arg9 : memref<128x128xf32, #tpu.memory_space<vmem>>) offsets(%dma_start3A_371 : memref<128xi32, #tpu.memory_space<vmem>>) semaphore(%arg11 : memref<!tpu.dma_semaphore, #tpu.memory_space<semaphore_mem>>)
      } else {
      }
      %dma_wait3A_252 = arith.constant 0 : i32
      %dma_wait3A_253 = tpu.memref_slice %arg7[%add3A_244, %dma_wait3A_252] : memref<80x128xi32, #tpu.memory_space<vmem>> -> memref<1x128xi32, #tpu.memory_space<vmem>>
      %dma_wait3A_254 = tpu.memref_squeeze %dma_wait3A_253 : memref<1x128xi32, #tpu.memory_space<vmem>> -> memref<128xi32, #tpu.memory_space<vmem>>
      %dma_wait3A_255 = arith.constant 0 : i32
      %dma_wait3A_256 = arith.constant 0 : i32
      %dma_wait3A_257 = tpu.memref_slice %arg2[%dma_wait3A_255, %dma_wait3A_256] : memref<10000x128xf32, #tpu.memory_space<hbm>> -> memref<10000x128xf32, #tpu.memory_space<hbm>>
      tpu.wait_indirect_dma semaphore(%arg11 : memref<!tpu.dma_semaphore, #tpu.memory_space<semaphore_mem>>) src(%dma_wait3A_257 : memref<10000x128xf32, #tpu.memory_space<hbm>>) dst(%arg10 : memref<128x128xf32, #tpu.memory_space<vmem>>)
      %run_scoped3A_258 = arith.constant 9 : i32
      "tpu.region"() ({
        %run_scoped3A_367 = tpu.sem_alloc : memref<!tpu.dma_semaphore, #tpu.memory_space<semaphore_mem>>
        %dma_start3A_368 = arith.constant 0 : i32
        %dma_start3A_369 = tpu.memref_slice %arg8[%rem3A_58, %run_scoped3A_258, %dma_start3A_368] : memref<2x16x128xi32, #tpu.memory_space<vmem>> -> memref<1x1x128xi32, #tpu.memory_space<vmem>>
        %dma_start3A_370 = tpu.memref_squeeze %dma_start3A_369 : memref<1x1x128xi32, #tpu.memory_space<vmem>> -> memref<128xi32, #tpu.memory_space<vmem>>
        %dma_start3A_371 = arith.constant 0 : i32
        %dma_start3A_372 = arith.constant 0 : i32
        %dma_start3A_373 = tpu.memref_slice %arg6[%dma_start3A_371, %dma_start3A_372] : memref<10384x128xf32, #tpu.memory_space<vmem_shared>> -> memref<10384x128xf32, #tpu.memory_space<vmem_shared>>
        tpu.enqueue_indirect_dma source(%arg10 : memref<128x128xf32, #tpu.memory_space<vmem>>) target(%dma_start3A_373 : memref<10384x128xf32, #tpu.memory_space<vmem_shared>>) offsets(%dma_start3A_370 : memref<128xi32, #tpu.memory_space<vmem>>) semaphore(%run_scoped3A_367 : memref<!tpu.dma_semaphore, #tpu.memory_space<semaphore_mem>>) {add = true}
        %dma_wait3A_374 = arith.constant 0 : i32
        %dma_wait3A_375 = tpu.memref_slice %arg8[%rem3A_58, %run_scoped3A_258, %dma_wait3A_374] : memref<2x16x128xi32, #tpu.memory_space<vmem>> -> memref<1x1x128xi32, #tpu.memory_space<vmem>>
        %dma_wait3A_376 = tpu.memref_squeeze %dma_wait3A_375 : memref<1x1x128xi32, #tpu.memory_space<vmem>> -> memref<128xi32, #tpu.memory_space<vmem>>
        %dma_wait3A_377 = arith.constant 0 : i32
        %dma_wait3A_378 = arith.constant 0 : i32
        %dma_wait3A_379 = tpu.memref_slice %arg6[%dma_wait3A_377, %dma_wait3A_378] : memref<10384x128xf32, #tpu.memory_space<vmem_shared>> -> memref<10384x128xf32, #tpu.memory_space<vmem_shared>>
        tpu.wait_indirect_dma semaphore(%run_scoped3A_367 : memref<!tpu.dma_semaphore, #tpu.memory_space<semaphore_mem>>) src(%arg10 : memref<128x128xf32, #tpu.memory_space<vmem>>) dst(%dma_wait3A_379 : memref<10384x128xf32, #tpu.memory_space<vmem_shared>>)
        tpu.yield
      }) : () -> ()
      %mul3A_259 = arith.constant 16 : i32
      %mul3A_260 = arith.muli %scan3A_57, %mul3A_259 : i32
      %add3A_261 = arith.constant 10 : i32
      %add3A_262 = arith.addi %mul3A_260, %add3A_261 : i32
      %add3A_263 = arith.constant 1 : i32
      %add3A_264 = arith.addi %add3A_262, %add3A_263 : i32
      %lt3A_265 = arith.constant 80 : i32
      %lt3A_266 = arith.cmpi slt, %add3A_264, %lt3A_265 : i32
      %convert_element_type3A_267 = arith.extui %lt3A_266 : i1 to i32
      %cond3A_268 = arith.constant 0 : i32
      %cond3A_269 = arith.cmpi ne, %convert_element_type3A_267, %cond3A_268 : i32
      scf.if %cond3A_269 {
        %add3A_367 = arith.constant 1 : i32
        %add3A_368 = arith.addi %add3A_262, %add3A_367 : i32
        %dma_start3A_369 = arith.constant 0 : i32
        %dma_start3A_370 = tpu.memref_slice %arg7[%add3A_368, %dma_start3A_369] : memref<80x128xi32, #tpu.memory_space<vmem>> -> memref<1x128xi32, #tpu.memory_space<vmem>>
        %dma_start3A_371 = tpu.memref_squeeze %dma_start3A_370 : memref<1x128xi32, #tpu.memory_space<vmem>> -> memref<128xi32, #tpu.memory_space<vmem>>
        %dma_start3A_372 = arith.constant 0 : i32
        %dma_start3A_373 = arith.constant 0 : i32
        %dma_start3A_374 = tpu.memref_slice %arg2[%dma_start3A_372, %dma_start3A_373] : memref<10000x128xf32, #tpu.memory_space<hbm>> -> memref<10000x128xf32, #tpu.memory_space<hbm>>
        tpu.enqueue_indirect_dma source(%dma_start3A_374 : memref<10000x128xf32, #tpu.memory_space<hbm>>) target(%arg10 : memref<128x128xf32, #tpu.memory_space<vmem>>) offsets(%dma_start3A_371 : memref<128xi32, #tpu.memory_space<vmem>>) semaphore(%arg11 : memref<!tpu.dma_semaphore, #tpu.memory_space<semaphore_mem>>)
      } else {
      }
      %dma_wait3A_270 = arith.constant 0 : i32
      %dma_wait3A_271 = tpu.memref_slice %arg7[%add3A_262, %dma_wait3A_270] : memref<80x128xi32, #tpu.memory_space<vmem>> -> memref<1x128xi32, #tpu.memory_space<vmem>>
      %dma_wait3A_272 = tpu.memref_squeeze %dma_wait3A_271 : memref<1x128xi32, #tpu.memory_space<vmem>> -> memref<128xi32, #tpu.memory_space<vmem>>
      %dma_wait3A_273 = arith.constant 0 : i32
      %dma_wait3A_274 = arith.constant 0 : i32
      %dma_wait3A_275 = tpu.memref_slice %arg2[%dma_wait3A_273, %dma_wait3A_274] : memref<10000x128xf32, #tpu.memory_space<hbm>> -> memref<10000x128xf32, #tpu.memory_space<hbm>>
      tpu.wait_indirect_dma semaphore(%arg11 : memref<!tpu.dma_semaphore, #tpu.memory_space<semaphore_mem>>) src(%dma_wait3A_275 : memref<10000x128xf32, #tpu.memory_space<hbm>>) dst(%arg9 : memref<128x128xf32, #tpu.memory_space<vmem>>)
      %run_scoped3A_276 = arith.constant 10 : i32
      "tpu.region"() ({
        %run_scoped3A_367 = tpu.sem_alloc : memref<!tpu.dma_semaphore, #tpu.memory_space<semaphore_mem>>
        %dma_start3A_368 = arith.constant 0 : i32
        %dma_start3A_369 = tpu.memref_slice %arg8[%rem3A_58, %run_scoped3A_276, %dma_start3A_368] : memref<2x16x128xi32, #tpu.memory_space<vmem>> -> memref<1x1x128xi32, #tpu.memory_space<vmem>>
        %dma_start3A_370 = tpu.memref_squeeze %dma_start3A_369 : memref<1x1x128xi32, #tpu.memory_space<vmem>> -> memref<128xi32, #tpu.memory_space<vmem>>
        %dma_start3A_371 = arith.constant 0 : i32
        %dma_start3A_372 = arith.constant 0 : i32
        %dma_start3A_373 = tpu.memref_slice %arg6[%dma_start3A_371, %dma_start3A_372] : memref<10384x128xf32, #tpu.memory_space<vmem_shared>> -> memref<10384x128xf32, #tpu.memory_space<vmem_shared>>
        tpu.enqueue_indirect_dma source(%arg9 : memref<128x128xf32, #tpu.memory_space<vmem>>) target(%dma_start3A_373 : memref<10384x128xf32, #tpu.memory_space<vmem_shared>>) offsets(%dma_start3A_370 : memref<128xi32, #tpu.memory_space<vmem>>) semaphore(%run_scoped3A_367 : memref<!tpu.dma_semaphore, #tpu.memory_space<semaphore_mem>>) {add = true}
        %dma_wait3A_374 = arith.constant 0 : i32
        %dma_wait3A_375 = tpu.memref_slice %arg8[%rem3A_58, %run_scoped3A_276, %dma_wait3A_374] : memref<2x16x128xi32, #tpu.memory_space<vmem>> -> memref<1x1x128xi32, #tpu.memory_space<vmem>>
        %dma_wait3A_376 = tpu.memref_squeeze %dma_wait3A_375 : memref<1x1x128xi32, #tpu.memory_space<vmem>> -> memref<128xi32, #tpu.memory_space<vmem>>
        %dma_wait3A_377 = arith.constant 0 : i32
        %dma_wait3A_378 = arith.constant 0 : i32
        %dma_wait3A_379 = tpu.memref_slice %arg6[%dma_wait3A_377, %dma_wait3A_378] : memref<10384x128xf32, #tpu.memory_space<vmem_shared>> -> memref<10384x128xf32, #tpu.memory_space<vmem_shared>>
        tpu.wait_indirect_dma semaphore(%run_scoped3A_367 : memref<!tpu.dma_semaphore, #tpu.memory_space<semaphore_mem>>) src(%arg9 : memref<128x128xf32, #tpu.memory_space<vmem>>) dst(%dma_wait3A_379 : memref<10384x128xf32, #tpu.memory_space<vmem_shared>>)
        tpu.yield
      }) : () -> ()
      %mul3A_277 = arith.constant 16 : i32
      %mul3A_278 = arith.muli %scan3A_57, %mul3A_277 : i32
      %add3A_279 = arith.constant 11 : i32
      %add3A_280 = arith.addi %mul3A_278, %add3A_279 : i32
      %add3A_281 = arith.constant 1 : i32
      %add3A_282 = arith.addi %add3A_280, %add3A_281 : i32
      %lt3A_283 = arith.constant 80 : i32
      %lt3A_284 = arith.cmpi slt, %add3A_282, %lt3A_283 : i32
      %convert_element_type3A_285 = arith.extui %lt3A_284 : i1 to i32
      %cond3A_286 = arith.constant 0 : i32
      %cond3A_287 = arith.cmpi ne, %convert_element_type3A_285, %cond3A_286 : i32
      scf.if %cond3A_287 {
        %add3A_367 = arith.constant 1 : i32
        %add3A_368 = arith.addi %add3A_280, %add3A_367 : i32
        %dma_start3A_369 = arith.constant 0 : i32
        %dma_start3A_370 = tpu.memref_slice %arg7[%add3A_368, %dma_start3A_369] : memref<80x128xi32, #tpu.memory_space<vmem>> -> memref<1x128xi32, #tpu.memory_space<vmem>>
        %dma_start3A_371 = tpu.memref_squeeze %dma_start3A_370 : memref<1x128xi32, #tpu.memory_space<vmem>> -> memref<128xi32, #tpu.memory_space<vmem>>
        %dma_start3A_372 = arith.constant 0 : i32
        %dma_start3A_373 = arith.constant 0 : i32
        %dma_start3A_374 = tpu.memref_slice %arg2[%dma_start3A_372, %dma_start3A_373] : memref<10000x128xf32, #tpu.memory_space<hbm>> -> memref<10000x128xf32, #tpu.memory_space<hbm>>
        tpu.enqueue_indirect_dma source(%dma_start3A_374 : memref<10000x128xf32, #tpu.memory_space<hbm>>) target(%arg9 : memref<128x128xf32, #tpu.memory_space<vmem>>) offsets(%dma_start3A_371 : memref<128xi32, #tpu.memory_space<vmem>>) semaphore(%arg11 : memref<!tpu.dma_semaphore, #tpu.memory_space<semaphore_mem>>)
      } else {
      }
      %dma_wait3A_288 = arith.constant 0 : i32
      %dma_wait3A_289 = tpu.memref_slice %arg7[%add3A_280, %dma_wait3A_288] : memref<80x128xi32, #tpu.memory_space<vmem>> -> memref<1x128xi32, #tpu.memory_space<vmem>>
      %dma_wait3A_290 = tpu.memref_squeeze %dma_wait3A_289 : memref<1x128xi32, #tpu.memory_space<vmem>> -> memref<128xi32, #tpu.memory_space<vmem>>
      %dma_wait3A_291 = arith.constant 0 : i32
      %dma_wait3A_292 = arith.constant 0 : i32
      %dma_wait3A_293 = tpu.memref_slice %arg2[%dma_wait3A_291, %dma_wait3A_292] : memref<10000x128xf32, #tpu.memory_space<hbm>> -> memref<10000x128xf32, #tpu.memory_space<hbm>>
      tpu.wait_indirect_dma semaphore(%arg11 : memref<!tpu.dma_semaphore, #tpu.memory_space<semaphore_mem>>) src(%dma_wait3A_293 : memref<10000x128xf32, #tpu.memory_space<hbm>>) dst(%arg10 : memref<128x128xf32, #tpu.memory_space<vmem>>)
      %run_scoped3A_294 = arith.constant 11 : i32
      "tpu.region"() ({
        %run_scoped3A_367 = tpu.sem_alloc : memref<!tpu.dma_semaphore, #tpu.memory_space<semaphore_mem>>
        %dma_start3A_368 = arith.constant 0 : i32
        %dma_start3A_369 = tpu.memref_slice %arg8[%rem3A_58, %run_scoped3A_294, %dma_start3A_368] : memref<2x16x128xi32, #tpu.memory_space<vmem>> -> memref<1x1x128xi32, #tpu.memory_space<vmem>>
        %dma_start3A_370 = tpu.memref_squeeze %dma_start3A_369 : memref<1x1x128xi32, #tpu.memory_space<vmem>> -> memref<128xi32, #tpu.memory_space<vmem>>
        %dma_start3A_371 = arith.constant 0 : i32
        %dma_start3A_372 = arith.constant 0 : i32
        %dma_start3A_373 = tpu.memref_slice %arg6[%dma_start3A_371, %dma_start3A_372] : memref<10384x128xf32, #tpu.memory_space<vmem_shared>> -> memref<10384x128xf32, #tpu.memory_space<vmem_shared>>
        tpu.enqueue_indirect_dma source(%arg10 : memref<128x128xf32, #tpu.memory_space<vmem>>) target(%dma_start3A_373 : memref<10384x128xf32, #tpu.memory_space<vmem_shared>>) offsets(%dma_start3A_370 : memref<128xi32, #tpu.memory_space<vmem>>) semaphore(%run_scoped3A_367 : memref<!tpu.dma_semaphore, #tpu.memory_space<semaphore_mem>>) {add = true}
        %dma_wait3A_374 = arith.constant 0 : i32
        %dma_wait3A_375 = tpu.memref_slice %arg8[%rem3A_58, %run_scoped3A_294, %dma_wait3A_374] : memref<2x16x128xi32, #tpu.memory_space<vmem>> -> memref<1x1x128xi32, #tpu.memory_space<vmem>>
        %dma_wait3A_376 = tpu.memref_squeeze %dma_wait3A_375 : memref<1x1x128xi32, #tpu.memory_space<vmem>> -> memref<128xi32, #tpu.memory_space<vmem>>
        %dma_wait3A_377 = arith.constant 0 : i32
        %dma_wait3A_378 = arith.constant 0 : i32
        %dma_wait3A_379 = tpu.memref_slice %arg6[%dma_wait3A_377, %dma_wait3A_378] : memref<10384x128xf32, #tpu.memory_space<vmem_shared>> -> memref<10384x128xf32, #tpu.memory_space<vmem_shared>>
        tpu.wait_indirect_dma semaphore(%run_scoped3A_367 : memref<!tpu.dma_semaphore, #tpu.memory_space<semaphore_mem>>) src(%arg10 : memref<128x128xf32, #tpu.memory_space<vmem>>) dst(%dma_wait3A_379 : memref<10384x128xf32, #tpu.memory_space<vmem_shared>>)
        tpu.yield
      }) : () -> ()
      %mul3A_295 = arith.constant 16 : i32
      %mul3A_296 = arith.muli %scan3A_57, %mul3A_295 : i32
      %add3A_297 = arith.constant 12 : i32
      %add3A_298 = arith.addi %mul3A_296, %add3A_297 : i32
      %add3A_299 = arith.constant 1 : i32
      %add3A_300 = arith.addi %add3A_298, %add3A_299 : i32
      %lt3A_301 = arith.constant 80 : i32
      %lt3A_302 = arith.cmpi slt, %add3A_300, %lt3A_301 : i32
      %convert_element_type3A_303 = arith.extui %lt3A_302 : i1 to i32
      %cond3A_304 = arith.constant 0 : i32
      %cond3A_305 = arith.cmpi ne, %convert_element_type3A_303, %cond3A_304 : i32
      scf.if %cond3A_305 {
        %add3A_367 = arith.constant 1 : i32
        %add3A_368 = arith.addi %add3A_298, %add3A_367 : i32
        %dma_start3A_369 = arith.constant 0 : i32
        %dma_start3A_370 = tpu.memref_slice %arg7[%add3A_368, %dma_start3A_369] : memref<80x128xi32, #tpu.memory_space<vmem>> -> memref<1x128xi32, #tpu.memory_space<vmem>>
        %dma_start3A_371 = tpu.memref_squeeze %dma_start3A_370 : memref<1x128xi32, #tpu.memory_space<vmem>> -> memref<128xi32, #tpu.memory_space<vmem>>
        %dma_start3A_372 = arith.constant 0 : i32
        %dma_start3A_373 = arith.constant 0 : i32
        %dma_start3A_374 = tpu.memref_slice %arg2[%dma_start3A_372, %dma_start3A_373] : memref<10000x128xf32, #tpu.memory_space<hbm>> -> memref<10000x128xf32, #tpu.memory_space<hbm>>
        tpu.enqueue_indirect_dma source(%dma_start3A_374 : memref<10000x128xf32, #tpu.memory_space<hbm>>) target(%arg10 : memref<128x128xf32, #tpu.memory_space<vmem>>) offsets(%dma_start3A_371 : memref<128xi32, #tpu.memory_space<vmem>>) semaphore(%arg11 : memref<!tpu.dma_semaphore, #tpu.memory_space<semaphore_mem>>)
      } else {
      }
      %dma_wait3A_306 = arith.constant 0 : i32
      %dma_wait3A_307 = tpu.memref_slice %arg7[%add3A_298, %dma_wait3A_306] : memref<80x128xi32, #tpu.memory_space<vmem>> -> memref<1x128xi32, #tpu.memory_space<vmem>>
      %dma_wait3A_308 = tpu.memref_squeeze %dma_wait3A_307 : memref<1x128xi32, #tpu.memory_space<vmem>> -> memref<128xi32, #tpu.memory_space<vmem>>
      %dma_wait3A_309 = arith.constant 0 : i32
      %dma_wait3A_310 = arith.constant 0 : i32
      %dma_wait3A_311 = tpu.memref_slice %arg2[%dma_wait3A_309, %dma_wait3A_310] : memref<10000x128xf32, #tpu.memory_space<hbm>> -> memref<10000x128xf32, #tpu.memory_space<hbm>>
      tpu.wait_indirect_dma semaphore(%arg11 : memref<!tpu.dma_semaphore, #tpu.memory_space<semaphore_mem>>) src(%dma_wait3A_311 : memref<10000x128xf32, #tpu.memory_space<hbm>>) dst(%arg9 : memref<128x128xf32, #tpu.memory_space<vmem>>)
      %run_scoped3A_312 = arith.constant 12 : i32
      "tpu.region"() ({
        %run_scoped3A_367 = tpu.sem_alloc : memref<!tpu.dma_semaphore, #tpu.memory_space<semaphore_mem>>
        %dma_start3A_368 = arith.constant 0 : i32
        %dma_start3A_369 = tpu.memref_slice %arg8[%rem3A_58, %run_scoped3A_312, %dma_start3A_368] : memref<2x16x128xi32, #tpu.memory_space<vmem>> -> memref<1x1x128xi32, #tpu.memory_space<vmem>>
        %dma_start3A_370 = tpu.memref_squeeze %dma_start3A_369 : memref<1x1x128xi32, #tpu.memory_space<vmem>> -> memref<128xi32, #tpu.memory_space<vmem>>
        %dma_start3A_371 = arith.constant 0 : i32
        %dma_start3A_372 = arith.constant 0 : i32
        %dma_start3A_373 = tpu.memref_slice %arg6[%dma_start3A_371, %dma_start3A_372] : memref<10384x128xf32, #tpu.memory_space<vmem_shared>> -> memref<10384x128xf32, #tpu.memory_space<vmem_shared>>
        tpu.enqueue_indirect_dma source(%arg9 : memref<128x128xf32, #tpu.memory_space<vmem>>) target(%dma_start3A_373 : memref<10384x128xf32, #tpu.memory_space<vmem_shared>>) offsets(%dma_start3A_370 : memref<128xi32, #tpu.memory_space<vmem>>) semaphore(%run_scoped3A_367 : memref<!tpu.dma_semaphore, #tpu.memory_space<semaphore_mem>>) {add = true}
        %dma_wait3A_374 = arith.constant 0 : i32
        %dma_wait3A_375 = tpu.memref_slice %arg8[%rem3A_58, %run_scoped3A_312, %dma_wait3A_374] : memref<2x16x128xi32, #tpu.memory_space<vmem>> -> memref<1x1x128xi32, #tpu.memory_space<vmem>>
        %dma_wait3A_376 = tpu.memref_squeeze %dma_wait3A_375 : memref<1x1x128xi32, #tpu.memory_space<vmem>> -> memref<128xi32, #tpu.memory_space<vmem>>
        %dma_wait3A_377 = arith.constant 0 : i32
        %dma_wait3A_378 = arith.constant 0 : i32
        %dma_wait3A_379 = tpu.memref_slice %arg6[%dma_wait3A_377, %dma_wait3A_378] : memref<10384x128xf32, #tpu.memory_space<vmem_shared>> -> memref<10384x128xf32, #tpu.memory_space<vmem_shared>>
        tpu.wait_indirect_dma semaphore(%run_scoped3A_367 : memref<!tpu.dma_semaphore, #tpu.memory_space<semaphore_mem>>) src(%arg9 : memref<128x128xf32, #tpu.memory_space<vmem>>) dst(%dma_wait3A_379 : memref<10384x128xf32, #tpu.memory_space<vmem_shared>>)
        tpu.yield
      }) : () -> ()
      %mul3A_313 = arith.constant 16 : i32
      %mul3A_314 = arith.muli %scan3A_57, %mul3A_313 : i32
      %add3A_315 = arith.constant 13 : i32
      %add3A_316 = arith.addi %mul3A_314, %add3A_315 : i32
      %add3A_317 = arith.constant 1 : i32
      %add3A_318 = arith.addi %add3A_316, %add3A_317 : i32
      %lt3A_319 = arith.constant 80 : i32
      %lt3A_320 = arith.cmpi slt, %add3A_318, %lt3A_319 : i32
      %convert_element_type3A_321 = arith.extui %lt3A_320 : i1 to i32
      %cond3A_322 = arith.constant 0 : i32
      %cond3A_323 = arith.cmpi ne, %convert_element_type3A_321, %cond3A_322 : i32
      scf.if %cond3A_323 {
        %add3A_367 = arith.constant 1 : i32
        %add3A_368 = arith.addi %add3A_316, %add3A_367 : i32
        %dma_start3A_369 = arith.constant 0 : i32
        %dma_start3A_370 = tpu.memref_slice %arg7[%add3A_368, %dma_start3A_369] : memref<80x128xi32, #tpu.memory_space<vmem>> -> memref<1x128xi32, #tpu.memory_space<vmem>>
        %dma_start3A_371 = tpu.memref_squeeze %dma_start3A_370 : memref<1x128xi32, #tpu.memory_space<vmem>> -> memref<128xi32, #tpu.memory_space<vmem>>
        %dma_start3A_372 = arith.constant 0 : i32
        %dma_start3A_373 = arith.constant 0 : i32
        %dma_start3A_374 = tpu.memref_slice %arg2[%dma_start3A_372, %dma_start3A_373] : memref<10000x128xf32, #tpu.memory_space<hbm>> -> memref<10000x128xf32, #tpu.memory_space<hbm>>
        tpu.enqueue_indirect_dma source(%dma_start3A_374 : memref<10000x128xf32, #tpu.memory_space<hbm>>) target(%arg9 : memref<128x128xf32, #tpu.memory_space<vmem>>) offsets(%dma_start3A_371 : memref<128xi32, #tpu.memory_space<vmem>>) semaphore(%arg11 : memref<!tpu.dma_semaphore, #tpu.memory_space<semaphore_mem>>)
      } else {
      }
      %dma_wait3A_324 = arith.constant 0 : i32
      %dma_wait3A_325 = tpu.memref_slice %arg7[%add3A_316, %dma_wait3A_324] : memref<80x128xi32, #tpu.memory_space<vmem>> -> memref<1x128xi32, #tpu.memory_space<vmem>>
      %dma_wait3A_326 = tpu.memref_squeeze %dma_wait3A_325 : memref<1x128xi32, #tpu.memory_space<vmem>> -> memref<128xi32, #tpu.memory_space<vmem>>
      %dma_wait3A_327 = arith.constant 0 : i32
      %dma_wait3A_328 = arith.constant 0 : i32
      %dma_wait3A_329 = tpu.memref_slice %arg2[%dma_wait3A_327, %dma_wait3A_328] : memref<10000x128xf32, #tpu.memory_space<hbm>> -> memref<10000x128xf32, #tpu.memory_space<hbm>>
      tpu.wait_indirect_dma semaphore(%arg11 : memref<!tpu.dma_semaphore, #tpu.memory_space<semaphore_mem>>) src(%dma_wait3A_329 : memref<10000x128xf32, #tpu.memory_space<hbm>>) dst(%arg10 : memref<128x128xf32, #tpu.memory_space<vmem>>)
      %run_scoped3A_330 = arith.constant 13 : i32
      "tpu.region"() ({
        %run_scoped3A_367 = tpu.sem_alloc : memref<!tpu.dma_semaphore, #tpu.memory_space<semaphore_mem>>
        %dma_start3A_368 = arith.constant 0 : i32
        %dma_start3A_369 = tpu.memref_slice %arg8[%rem3A_58, %run_scoped3A_330, %dma_start3A_368] : memref<2x16x128xi32, #tpu.memory_space<vmem>> -> memref<1x1x128xi32, #tpu.memory_space<vmem>>
        %dma_start3A_370 = tpu.memref_squeeze %dma_start3A_369 : memref<1x1x128xi32, #tpu.memory_space<vmem>> -> memref<128xi32, #tpu.memory_space<vmem>>
        %dma_start3A_371 = arith.constant 0 : i32
        %dma_start3A_372 = arith.constant 0 : i32
        %dma_start3A_373 = tpu.memref_slice %arg6[%dma_start3A_371, %dma_start3A_372] : memref<10384x128xf32, #tpu.memory_space<vmem_shared>> -> memref<10384x128xf32, #tpu.memory_space<vmem_shared>>
        tpu.enqueue_indirect_dma source(%arg10 : memref<128x128xf32, #tpu.memory_space<vmem>>) target(%dma_start3A_373 : memref<10384x128xf32, #tpu.memory_space<vmem_shared>>) offsets(%dma_start3A_370 : memref<128xi32, #tpu.memory_space<vmem>>) semaphore(%run_scoped3A_367 : memref<!tpu.dma_semaphore, #tpu.memory_space<semaphore_mem>>) {add = true}
        %dma_wait3A_374 = arith.constant 0 : i32
        %dma_wait3A_375 = tpu.memref_slice %arg8[%rem3A_58, %run_scoped3A_330, %dma_wait3A_374] : memref<2x16x128xi32, #tpu.memory_space<vmem>> -> memref<1x1x128xi32, #tpu.memory_space<vmem>>
        %dma_wait3A_376 = tpu.memref_squeeze %dma_wait3A_375 : memref<1x1x128xi32, #tpu.memory_space<vmem>> -> memref<128xi32, #tpu.memory_space<vmem>>
        %dma_wait3A_377 = arith.constant 0 : i32
        %dma_wait3A_378 = arith.constant 0 : i32
        %dma_wait3A_379 = tpu.memref_slice %arg6[%dma_wait3A_377, %dma_wait3A_378] : memref<10384x128xf32, #tpu.memory_space<vmem_shared>> -> memref<10384x128xf32, #tpu.memory_space<vmem_shared>>
        tpu.wait_indirect_dma semaphore(%run_scoped3A_367 : memref<!tpu.dma_semaphore, #tpu.memory_space<semaphore_mem>>) src(%arg10 : memref<128x128xf32, #tpu.memory_space<vmem>>) dst(%dma_wait3A_379 : memref<10384x128xf32, #tpu.memory_space<vmem_shared>>)
        tpu.yield
      }) : () -> ()
      %mul3A_331 = arith.constant 16 : i32
      %mul3A_332 = arith.muli %scan3A_57, %mul3A_331 : i32
      %add3A_333 = arith.constant 14 : i32
      %add3A_334 = arith.addi %mul3A_332, %add3A_333 : i32
      %add3A_335 = arith.constant 1 : i32
      %add3A_336 = arith.addi %add3A_334, %add3A_335 : i32
      %lt3A_337 = arith.constant 80 : i32
      %lt3A_338 = arith.cmpi slt, %add3A_336, %lt3A_337 : i32
      %convert_element_type3A_339 = arith.extui %lt3A_338 : i1 to i32
      %cond3A_340 = arith.constant 0 : i32
      %cond3A_341 = arith.cmpi ne, %convert_element_type3A_339, %cond3A_340 : i32
      scf.if %cond3A_341 {
        %add3A_367 = arith.constant 1 : i32
        %add3A_368 = arith.addi %add3A_334, %add3A_367 : i32
        %dma_start3A_369 = arith.constant 0 : i32
        %dma_start3A_370 = tpu.memref_slice %arg7[%add3A_368, %dma_start3A_369] : memref<80x128xi32, #tpu.memory_space<vmem>> -> memref<1x128xi32, #tpu.memory_space<vmem>>
        %dma_start3A_371 = tpu.memref_squeeze %dma_start3A_370 : memref<1x128xi32, #tpu.memory_space<vmem>> -> memref<128xi32, #tpu.memory_space<vmem>>
        %dma_start3A_372 = arith.constant 0 : i32
        %dma_start3A_373 = arith.constant 0 : i32
        %dma_start3A_374 = tpu.memref_slice %arg2[%dma_start3A_372, %dma_start3A_373] : memref<10000x128xf32, #tpu.memory_space<hbm>> -> memref<10000x128xf32, #tpu.memory_space<hbm>>
        tpu.enqueue_indirect_dma source(%dma_start3A_374 : memref<10000x128xf32, #tpu.memory_space<hbm>>) target(%arg10 : memref<128x128xf32, #tpu.memory_space<vmem>>) offsets(%dma_start3A_371 : memref<128xi32, #tpu.memory_space<vmem>>) semaphore(%arg11 : memref<!tpu.dma_semaphore, #tpu.memory_space<semaphore_mem>>)
      } else {
      }
      %dma_wait3A_342 = arith.constant 0 : i32
      %dma_wait3A_343 = tpu.memref_slice %arg7[%add3A_334, %dma_wait3A_342] : memref<80x128xi32, #tpu.memory_space<vmem>> -> memref<1x128xi32, #tpu.memory_space<vmem>>
      %dma_wait3A_344 = tpu.memref_squeeze %dma_wait3A_343 : memref<1x128xi32, #tpu.memory_space<vmem>> -> memref<128xi32, #tpu.memory_space<vmem>>
      %dma_wait3A_345 = arith.constant 0 : i32
      %dma_wait3A_346 = arith.constant 0 : i32
      %dma_wait3A_347 = tpu.memref_slice %arg2[%dma_wait3A_345, %dma_wait3A_346] : memref<10000x128xf32, #tpu.memory_space<hbm>> -> memref<10000x128xf32, #tpu.memory_space<hbm>>
      tpu.wait_indirect_dma semaphore(%arg11 : memref<!tpu.dma_semaphore, #tpu.memory_space<semaphore_mem>>) src(%dma_wait3A_347 : memref<10000x128xf32, #tpu.memory_space<hbm>>) dst(%arg9 : memref<128x128xf32, #tpu.memory_space<vmem>>)
      %run_scoped3A_348 = arith.constant 14 : i32
      "tpu.region"() ({
        %run_scoped3A_367 = tpu.sem_alloc : memref<!tpu.dma_semaphore, #tpu.memory_space<semaphore_mem>>
        %dma_start3A_368 = arith.constant 0 : i32
        %dma_start3A_369 = tpu.memref_slice %arg8[%rem3A_58, %run_scoped3A_348, %dma_start3A_368] : memref<2x16x128xi32, #tpu.memory_space<vmem>> -> memref<1x1x128xi32, #tpu.memory_space<vmem>>
        %dma_start3A_370 = tpu.memref_squeeze %dma_start3A_369 : memref<1x1x128xi32, #tpu.memory_space<vmem>> -> memref<128xi32, #tpu.memory_space<vmem>>
        %dma_start3A_371 = arith.constant 0 : i32
        %dma_start3A_372 = arith.constant 0 : i32
        %dma_start3A_373 = tpu.memref_slice %arg6[%dma_start3A_371, %dma_start3A_372] : memref<10384x128xf32, #tpu.memory_space<vmem_shared>> -> memref<10384x128xf32, #tpu.memory_space<vmem_shared>>
        tpu.enqueue_indirect_dma source(%arg9 : memref<128x128xf32, #tpu.memory_space<vmem>>) target(%dma_start3A_373 : memref<10384x128xf32, #tpu.memory_space<vmem_shared>>) offsets(%dma_start3A_370 : memref<128xi32, #tpu.memory_space<vmem>>) semaphore(%run_scoped3A_367 : memref<!tpu.dma_semaphore, #tpu.memory_space<semaphore_mem>>) {add = true}
        %dma_wait3A_374 = arith.constant 0 : i32
        %dma_wait3A_375 = tpu.memref_slice %arg8[%rem3A_58, %run_scoped3A_348, %dma_wait3A_374] : memref<2x16x128xi32, #tpu.memory_space<vmem>> -> memref<1x1x128xi32, #tpu.memory_space<vmem>>
        %dma_wait3A_376 = tpu.memref_squeeze %dma_wait3A_375 : memref<1x1x128xi32, #tpu.memory_space<vmem>> -> memref<128xi32, #tpu.memory_space<vmem>>
        %dma_wait3A_377 = arith.constant 0 : i32
        %dma_wait3A_378 = arith.constant 0 : i32
        %dma_wait3A_379 = tpu.memref_slice %arg6[%dma_wait3A_377, %dma_wait3A_378] : memref<10384x128xf32, #tpu.memory_space<vmem_shared>> -> memref<10384x128xf32, #tpu.memory_space<vmem_shared>>
        tpu.wait_indirect_dma semaphore(%run_scoped3A_367 : memref<!tpu.dma_semaphore, #tpu.memory_space<semaphore_mem>>) src(%arg9 : memref<128x128xf32, #tpu.memory_space<vmem>>) dst(%dma_wait3A_379 : memref<10384x128xf32, #tpu.memory_space<vmem_shared>>)
        tpu.yield
      }) : () -> ()
      %mul3A_349 = arith.constant 16 : i32
      %mul3A_350 = arith.muli %scan3A_57, %mul3A_349 : i32
      %add3A_351 = arith.constant 15 : i32
      %add3A_352 = arith.addi %mul3A_350, %add3A_351 : i32
      %add3A_353 = arith.constant 1 : i32
      %add3A_354 = arith.addi %add3A_352, %add3A_353 : i32
      %lt3A_355 = arith.constant 80 : i32
      %lt3A_356 = arith.cmpi slt, %add3A_354, %lt3A_355 : i32
      %convert_element_type3A_357 = arith.extui %lt3A_356 : i1 to i32
      %cond3A_358 = arith.constant 0 : i32
      %cond3A_359 = arith.cmpi ne, %convert_element_type3A_357, %cond3A_358 : i32
      scf.if %cond3A_359 {
        %add3A_367 = arith.constant 1 : i32
        %add3A_368 = arith.addi %add3A_352, %add3A_367 : i32
        %dma_start3A_369 = arith.constant 0 : i32
        %dma_start3A_370 = tpu.memref_slice %arg7[%add3A_368, %dma_start3A_369] : memref<80x128xi32, #tpu.memory_space<vmem>> -> memref<1x128xi32, #tpu.memory_space<vmem>>
        %dma_start3A_371 = tpu.memref_squeeze %dma_start3A_370 : memref<1x128xi32, #tpu.memory_space<vmem>> -> memref<128xi32, #tpu.memory_space<vmem>>
        %dma_start3A_372 = arith.constant 0 : i32
        %dma_start3A_373 = arith.constant 0 : i32
        %dma_start3A_374 = tpu.memref_slice %arg2[%dma_start3A_372, %dma_start3A_373] : memref<10000x128xf32, #tpu.memory_space<hbm>> -> memref<10000x128xf32, #tpu.memory_space<hbm>>
        tpu.enqueue_indirect_dma source(%dma_start3A_374 : memref<10000x128xf32, #tpu.memory_space<hbm>>) target(%arg9 : memref<128x128xf32, #tpu.memory_space<vmem>>) offsets(%dma_start3A_371 : memref<128xi32, #tpu.memory_space<vmem>>) semaphore(%arg11 : memref<!tpu.dma_semaphore, #tpu.memory_space<semaphore_mem>>)
      } else {
      }
      %dma_wait3A_360 = arith.constant 0 : i32
      %dma_wait3A_361 = tpu.memref_slice %arg7[%add3A_352, %dma_wait3A_360] : memref<80x128xi32, #tpu.memory_space<vmem>> -> memref<1x128xi32, #tpu.memory_space<vmem>>
      %dma_wait3A_362 = tpu.memref_squeeze %dma_wait3A_361 : memref<1x128xi32, #tpu.memory_space<vmem>> -> memref<128xi32, #tpu.memory_space<vmem>>
      %dma_wait3A_363 = arith.constant 0 : i32
      %dma_wait3A_364 = arith.constant 0 : i32
      %dma_wait3A_365 = tpu.memref_slice %arg2[%dma_wait3A_363, %dma_wait3A_364] : memref<10000x128xf32, #tpu.memory_space<hbm>> -> memref<10000x128xf32, #tpu.memory_space<hbm>>
      tpu.wait_indirect_dma semaphore(%arg11 : memref<!tpu.dma_semaphore, #tpu.memory_space<semaphore_mem>>) src(%dma_wait3A_365 : memref<10000x128xf32, #tpu.memory_space<hbm>>) dst(%arg10 : memref<128x128xf32, #tpu.memory_space<vmem>>)
      %run_scoped3A_366 = arith.constant 15 : i32
      "tpu.region"() ({
        %run_scoped3A_367 = tpu.sem_alloc : memref<!tpu.dma_semaphore, #tpu.memory_space<semaphore_mem>>
        %dma_start3A_368 = arith.constant 0 : i32
        %dma_start3A_369 = tpu.memref_slice %arg8[%rem3A_58, %run_scoped3A_366, %dma_start3A_368] : memref<2x16x128xi32, #tpu.memory_space<vmem>> -> memref<1x1x128xi32, #tpu.memory_space<vmem>>
        %dma_start3A_370 = tpu.memref_squeeze %dma_start3A_369 : memref<1x1x128xi32, #tpu.memory_space<vmem>> -> memref<128xi32, #tpu.memory_space<vmem>>
        %dma_start3A_371 = arith.constant 0 : i32
        %dma_start3A_372 = arith.constant 0 : i32
        %dma_start3A_373 = tpu.memref_slice %arg6[%dma_start3A_371, %dma_start3A_372] : memref<10384x128xf32, #tpu.memory_space<vmem_shared>> -> memref<10384x128xf32, #tpu.memory_space<vmem_shared>>
        tpu.enqueue_indirect_dma source(%arg10 : memref<128x128xf32, #tpu.memory_space<vmem>>) target(%dma_start3A_373 : memref<10384x128xf32, #tpu.memory_space<vmem_shared>>) offsets(%dma_start3A_370 : memref<128xi32, #tpu.memory_space<vmem>>) semaphore(%run_scoped3A_367 : memref<!tpu.dma_semaphore, #tpu.memory_space<semaphore_mem>>) {add = true}
        %dma_wait3A_374 = arith.constant 0 : i32
        %dma_wait3A_375 = tpu.memref_slice %arg8[%rem3A_58, %run_scoped3A_366, %dma_wait3A_374] : memref<2x16x128xi32, #tpu.memory_space<vmem>> -> memref<1x1x128xi32, #tpu.memory_space<vmem>>
        %dma_wait3A_376 = tpu.memref_squeeze %dma_wait3A_375 : memref<1x1x128xi32, #tpu.memory_space<vmem>> -> memref<128xi32, #tpu.memory_space<vmem>>
        %dma_wait3A_377 = arith.constant 0 : i32
        %dma_wait3A_378 = arith.constant 0 : i32
        %dma_wait3A_379 = tpu.memref_slice %arg6[%dma_wait3A_377, %dma_wait3A_378] : memref<10384x128xf32, #tpu.memory_space<vmem_shared>> -> memref<10384x128xf32, #tpu.memory_space<vmem_shared>>
        tpu.wait_indirect_dma semaphore(%run_scoped3A_367 : memref<!tpu.dma_semaphore, #tpu.memory_space<semaphore_mem>>) src(%arg10 : memref<128x128xf32, #tpu.memory_space<vmem>>) dst(%dma_wait3A_379 : memref<10384x128xf32, #tpu.memory_space<vmem_shared>>)
        tpu.yield
      }) : () -> ()
    }
    %scan3A_50 = arith.constant 5 : i32
    %barrier3A_51 = arith.constant 0 : index
    tpu.barrier barrier_id(%barrier3A_51)
    "tpu.region"() ({
      %run_scoped3A = tpu.sem_alloc : memref<!tpu.dma_semaphore, #tpu.memory_space<semaphore_mem>>
      %dma_start3A_57 = arith.constant 0 : i32
      %dma_start3A_58 = tpu.memref_slice %arg5[%arg0, %mul3A_8, %dma_start3A_57] : memref<2x10000x128xf32, #tpu.memory_space<hbm>> -> memref<1x624x128xf32, #tpu.memory_space<hbm>>
      %dma_start3A_59 = tpu.memref_squeeze %dma_start3A_58 : memref<1x624x128xf32, #tpu.memory_space<hbm>> -> memref<624x128xf32, #tpu.memory_space<hbm>>
      %dma_start3A_60 = arith.constant 0 : i32
      %dma_start3A_61 = tpu.memref_slice %arg6[%mul3A_8, %dma_start3A_60] : memref<10384x128xf32, #tpu.memory_space<vmem_shared>> -> memref<624x128xf32, #tpu.memory_space<vmem_shared>>
      tpu.enqueue_dma source(%dma_start3A_61 : memref<624x128xf32, #tpu.memory_space<vmem_shared>>) target(%dma_start3A_59 : memref<624x128xf32, #tpu.memory_space<hbm>>) target_semaphore(%run_scoped3A : memref<!tpu.dma_semaphore, #tpu.memory_space<semaphore_mem>>)
      %dma_wait3A = arith.constant 0 : i32
      %dma_wait3A_62 = tpu.memref_slice %arg5[%arg0, %mul3A_8, %dma_wait3A] : memref<2x10000x128xf32, #tpu.memory_space<hbm>> -> memref<1x624x128xf32, #tpu.memory_space<hbm>>
      %dma_wait3A_63 = tpu.memref_squeeze %dma_wait3A_62 : memref<1x624x128xf32, #tpu.memory_space<hbm>> -> memref<624x128xf32, #tpu.memory_space<hbm>>
      %dma_wait3A_64 = arith.constant 0 : i32
      %dma_wait3A_65 = tpu.memref_slice %arg6[%mul3A_8, %dma_wait3A_64] : memref<10384x128xf32, #tpu.memory_space<vmem_shared>> -> memref<624x128xf32, #tpu.memory_space<vmem_shared>>
      tpu.wait_dma2 semaphore(%run_scoped3A : memref<!tpu.dma_semaphore, #tpu.memory_space<semaphore_mem>>) src(%dma_wait3A_65 : memref<624x128xf32, #tpu.memory_space<vmem_shared>>) dst(%dma_wait3A_63 : memref<624x128xf32, #tpu.memory_space<hbm>>)
      tpu.yield
    }) : () -> ()
    %eq3A_52 = arith.constant 0 : i32
    %eq3A_53 = arith.cmpi eq, %arg1, %eq3A_52 : i32
    %convert_element_type3A_54 = arith.extui %eq3A_53 : i1 to i32
    %cond3A_55 = arith.constant 0 : i32
    %cond3A_56 = arith.cmpi ne, %convert_element_type3A_54, %cond3A_55 : i32
    scf.if %cond3A_56 {
      "tpu.region"() ({
        %run_scoped3A = tpu.sem_alloc : memref<!tpu.dma_semaphore, #tpu.memory_space<semaphore_mem>>
        %dma_start3A_57 = arith.constant 9984 : i32
        %dma_start3A_58 = arith.constant 0 : i32
        %dma_start3A_59 = tpu.memref_slice %arg5[%arg0, %dma_start3A_57, %dma_start3A_58] : memref<2x10000x128xf32, #tpu.memory_space<hbm>> -> memref<1x16x128xf32, #tpu.memory_space<hbm>>
        %dma_start3A_60 = tpu.memref_squeeze %dma_start3A_59 : memref<1x16x128xf32, #tpu.memory_space<hbm>> -> memref<16x128xf32, #tpu.memory_space<hbm>>
        %dma_start3A_61 = arith.constant 9984 : i32
        %dma_start3A_62 = arith.constant 0 : i32
        %dma_start3A_63 = tpu.memref_slice %arg6[%dma_start3A_61, %dma_start3A_62] : memref<10384x128xf32, #tpu.memory_space<vmem_shared>> -> memref<16x128xf32, #tpu.memory_space<vmem_shared>>
        tpu.enqueue_dma source(%dma_start3A_63 : memref<16x128xf32, #tpu.memory_space<vmem_shared>>) target(%dma_start3A_60 : memref<16x128xf32, #tpu.memory_space<hbm>>) target_semaphore(%run_scoped3A : memref<!tpu.dma_semaphore, #tpu.memory_space<semaphore_mem>>)
        %dma_wait3A = arith.constant 9984 : i32
        %dma_wait3A_64 = arith.constant 0 : i32
        %dma_wait3A_65 = tpu.memref_slice %arg5[%arg0, %dma_wait3A, %dma_wait3A_64] : memref<2x10000x128xf32, #tpu.memory_space<hbm>> -> memref<1x16x128xf32, #tpu.memory_space<hbm>>
        %dma_wait3A_66 = tpu.memref_squeeze %dma_wait3A_65 : memref<1x16x128xf32, #tpu.memory_space<hbm>> -> memref<16x128xf32, #tpu.memory_space<hbm>>
        %dma_wait3A_67 = arith.constant 9984 : i32
        %dma_wait3A_68 = arith.constant 0 : i32
        %dma_wait3A_69 = tpu.memref_slice %arg6[%dma_wait3A_67, %dma_wait3A_68] : memref<10384x128xf32, #tpu.memory_space<vmem_shared>> -> memref<16x128xf32, #tpu.memory_space<vmem_shared>>
        tpu.wait_dma2 semaphore(%run_scoped3A : memref<!tpu.dma_semaphore, #tpu.memory_space<semaphore_mem>>) src(%dma_wait3A_69 : memref<16x128xf32, #tpu.memory_space<vmem_shared>>) dst(%dma_wait3A_66 : memref<16x128xf32, #tpu.memory_space<hbm>>)
        tpu.yield
      }) : () -> ()
    } else {
    }
    return
  }
}

module attributes {stable_mosaic.version = 14 : i64} {
  func.func @_combine_body(%arg0: i32, %arg1: memref<1000x128xf32, #tpu.memory_space<vmem>>, %arg2: memref<2x1000x128xf32, #tpu.memory_space<vmem>>, %arg3: memref<1000x1xf32, #tpu.memory_space<vmem>>, %arg4: memref<128x128xf32, #tpu.memory_space<vmem>>, %arg5: memref<128x128xf32, #tpu.memory_space<vmem>>, %arg6: memref<1x128xf32, #tpu.memory_space<vmem>>, %arg7: memref<1x128xf32, #tpu.memory_space<vmem>>, %arg8: memref<1000x128xf32, #tpu.memory_space<vmem>>) attributes {dimension_semantics = [#tpu.dimension_semantics<arbitrary>], iteration_bounds = array<i64: 10>, scalar_prefetch = 0 : i64, scratch_operands = 0 : i64, tpu.core_type = #tpu.core_type<tc>, window_params = [{transform_indices = @transform_0, window_bounds = array<i64: 1000, 128>}, {transform_indices = @transform_1, window_bounds = array<i64: 2, 1000, 128>}, {transform_indices = @transform_2, window_bounds = array<i64: 1000, 1>}, {pipeline_mode = #tpu.pipeline_mode<synchronous>, transform_indices = @transform_3, window_bounds = array<i64: 128, 128>}, {pipeline_mode = #tpu.pipeline_mode<synchronous>, transform_indices = @transform_4, window_bounds = array<i64: 128, 128>}, {pipeline_mode = #tpu.pipeline_mode<synchronous>, transform_indices = @transform_5, window_bounds = array<i64: 1, 128>}, {pipeline_mode = #tpu.pipeline_mode<synchronous>, transform_indices = @transform_6, window_bounds = array<i64: 1, 128>}, {transform_indices = @transform_7, window_bounds = array<i64: 1000, 128>}]} {
    %get3A = arith.constant 0 : index
    %get3A_0 = arith.constant 0 : index
    %get3A_1 = arith.constant 0 : index
    %get3A_2 = vector.load %arg2[%get3A, %get3A_0, %get3A_1] : memref<2x1000x128xf32, #tpu.memory_space<vmem>>, vector<2x1000x128xf32>
    %slice3A = vector.extract_strided_slice %get3A_2 {offsets = [0, 0, 0], sizes = [1, 1000, 128], strides = [1, 1, 1]} : vector<2x1000x128xf32> to vector<1x1000x128xf32>
    %squeeze3A = vector.shape_cast %slice3A : vector<1x1000x128xf32> to vector<1000x128xf32>
    %slice3A_3 = vector.extract_strided_slice %get3A_2 {offsets = [1, 0, 0], sizes = [1, 1000, 128], strides = [1, 1, 1]} : vector<2x1000x128xf32> to vector<1x1000x128xf32>
    %squeeze3A_4 = vector.shape_cast %slice3A_3 : vector<1x1000x128xf32> to vector<1000x128xf32>
    %add3A = arith.addf %squeeze3A, %squeeze3A_4 : vector<1000x128xf32>
    %get3A_5 = arith.constant 0 : index
    %get3A_6 = arith.constant 0 : index
    %get3A_7 = vector.load %arg3[%get3A_5, %get3A_6] : memref<1000x1xf32, #tpu.memory_space<vmem>>, vector<1000x1xf32>
    %div3A = vector.broadcast %get3A_7 : vector<1000x1xf32> to vector<1000x128xf32>
    %div3A_8 = arith.divf %add3A, %div3A : vector<1000x128xf32>
    %get3A_9 = arith.constant 0 : index
    %get3A_10 = arith.constant 0 : index
    %get3A_11 = vector.load %arg1[%get3A_9, %get3A_10] : memref<1000x128xf32, #tpu.memory_space<vmem>>, vector<1000x128xf32>
    %get3A_12 = arith.constant 0 : index
    %get3A_13 = arith.constant 0 : index
    %get3A_14 = vector.load %arg4[%get3A_12, %get3A_13] : memref<128x128xf32, #tpu.memory_space<vmem>>, vector<128x128xf32>
    %dot_general3A = arith.constant dense<0.000000e+00> : vector<1000x128xf32>
    %dot_general3A_15 = tpu.matmul %get3A_11, %get3A_14, %dot_general3A {dimension_numbers = #tpu.dot_dimension_numbers<[1], [1], [0], [0], [0, 0, 1, 0], [], []>, transpose_lhs_hint = false} : vector<1000x128xf32>, vector<128x128xf32>, vector<1000x128xf32> -> vector<1000x128xf32>
    %get3A_16 = arith.constant 0 : index
    %get3A_17 = arith.constant 0 : index
    %get3A_18 = vector.load %arg5[%get3A_16, %get3A_17] : memref<128x128xf32, #tpu.memory_space<vmem>>, vector<128x128xf32>
    %dot_general3A_19 = arith.constant dense<0.000000e+00> : vector<1000x128xf32>
    %dot_general3A_20 = tpu.matmul %div3A_8, %get3A_18, %dot_general3A_19 {dimension_numbers = #tpu.dot_dimension_numbers<[1], [1], [0], [0], [0, 0, 1, 0], [], []>, transpose_lhs_hint = false} : vector<1000x128xf32>, vector<128x128xf32>, vector<1000x128xf32> -> vector<1000x128xf32>
    %add3A_21 = arith.addf %dot_general3A_15, %dot_general3A_20 : vector<1000x128xf32>
    %get3A_22 = arith.constant 0 : index
    %get3A_23 = arith.constant 0 : index
    %get3A_24 = vector.load %arg6[%get3A_22, %get3A_23] : memref<1x128xf32, #tpu.memory_space<vmem>>, vector<1x128xf32>
    %add3A_25 = vector.broadcast %get3A_24 : vector<1x128xf32> to vector<1000x128xf32>
    %add3A_26 = arith.addf %add3A_21, %add3A_25 : vector<1000x128xf32>
    %get3A_27 = arith.constant 0 : index
    %get3A_28 = arith.constant 0 : index
    %get3A_29 = vector.load %arg7[%get3A_27, %get3A_28] : memref<1x128xf32, #tpu.memory_space<vmem>>, vector<1x128xf32>
    %add3A_30 = vector.broadcast %get3A_29 : vector<1x128xf32> to vector<1000x128xf32>
    %add3A_31 = arith.addf %add3A_26, %add3A_30 : vector<1000x128xf32>
    %swap3A = arith.constant 0 : index
    %swap3A_32 = arith.constant 0 : index
    %swap3A_33 = vector.load %arg8[%swap3A, %swap3A_32] : memref<1000x128xf32, #tpu.memory_space<vmem>>, vector<1000x128xf32>
    tpu.vector_store %arg8[%swap3A, %swap3A_32], %add3A_31 {strides = array<i32>} : memref<1000x128xf32, #tpu.memory_space<vmem>>, vector<1000x128xf32>,
    return
  }
  func.func @transform_0(%arg0: i32) -> (i32, i32) {
    %c0_i32 = arith.constant 0 : i32
    %c0_i32_0 = arith.constant 0 : i32
    return %arg0, %c0_i32 : i32, i32
  }
  func.func @transform_1(%arg0: i32) -> (i32, i32, i32) {
    %c0_i32 = arith.constant 0 : i32
    %c0_i32_0 = arith.constant 0 : i32
    %c0_i32_1 = arith.constant 0 : i32
    return %c0_i32, %arg0, %c0_i32_0 : i32, i32, i32
  }
  func.func @transform_2(%arg0: i32) -> (i32, i32) {
    %c0_i32 = arith.constant 0 : i32
    %c0_i32_0 = arith.constant 0 : i32
    return %arg0, %c0_i32 : i32, i32
  }
  func.func @transform_3(%arg0: i32) -> (i32, i32) {
    %c0_i32 = arith.constant 0 : i32
    %c0_i32_0 = arith.constant 0 : i32
    %c0_i32_1 = arith.constant 0 : i32
    return %c0_i32, %c0_i32_0 : i32, i32
  }
  func.func @transform_4(%arg0: i32) -> (i32, i32) {
    %c0_i32 = arith.constant 0 : i32
    %c0_i32_0 = arith.constant 0 : i32
    %c0_i32_1 = arith.constant 0 : i32
    return %c0_i32, %c0_i32_0 : i32, i32
  }
  func.func @transform_5(%arg0: i32) -> (i32, i32) {
    %c0_i32 = arith.constant 0 : i32
    %c0_i32_0 = arith.constant 0 : i32
    %c0_i32_1 = arith.constant 0 : i32
    return %c0_i32, %c0_i32_0 : i32, i32
  }
  func.func @transform_6(%arg0: i32) -> (i32, i32) {
    %c0_i32 = arith.constant 0 : i32
    %c0_i32_0 = arith.constant 0 : i32
    %c0_i32_1 = arith.constant 0 : i32
    return %c0_i32, %c0_i32_0 : i32, i32
  }
  func.func @transform_7(%arg0: i32) -> (i32, i32) {
    %c0_i32 = arith.constant 0 : i32
    %c0_i32_0 = arith.constant 0 : i32
    return %arg0, %c0_i32 : i32, i32
  }
}

</mosaic_0001>

<sc_bundles>
// kernel: kernel.4.cloned.1.call-start
scs
__scs_entry_jumppad:
0x0: {  	(pc) =	sbr.rel $0x88, $3  }
0x1: {  	(tag) =	ssettag $0x0;
	lr =	simm.s32 $0x1  }
0x2: {  	[smem:$0x3F9A] =	sst lr;
	_ =	strace $0xD0000000  }
0x3: {  	_ = 	snop  }
0x4: {  	_ = 	snop  }
0x5: {  	_ = 	snop  }
0x6: {  	_ = 	snop  }
0x7: {  	_ = 	snop  }
__scs_overlays_trampoline_lowered:
0x8: {  	[smem:$0x3FA9] =	sst s0  }
0x9: {  	[smem:$0x3FAA] =	sst s1  }
0xa: {  	[smem:$0x3FAB] =	sst s2  }
0xb: {  	[smem:$0x3FAC] =	sst s3  }
0xc: {  	[smem:$0x3FAD] =	sst s4  }
0xd: {  	[smem:$0x3FAE] =	sst s5  }
0xe: {  	[smem:$0x3FAF] =	sst s6  }
0xf: {  	[smem:$0x3FB0] =	sst s7  }
0x10: {  	[smem:$0x3FB1] =	sst s8  }
0x11: {  	[smem:$0x3FB2] =	sst s9;
	s0 =	simm.s32 @!p0 $0x0  }
0x12: {  	s1 =	sld [smem:$0x3F98];
	s0 =	simm.s32 @p0 $0x1  }
0x13: {  	[smem:$0x3FB3] =	sst s0;
	s0 =	simm.s32 @!p1 $0x0  }
0x14: {  	s2 =	sld [smem:$0x3F97];
	s0 =	simm.s32 @p1 $0x1  }
0x15: {  	[smem:$0x3FB4] =	sst s0;
	s0 =	simm.s32 @!p2 $0x0  }
0x16: {  	s3 =	sld [smem:$0x3FDB];
	s0 =	simm.s32 @p2 $0x1  }
0x17: {  	s4 =	simm.s32 $0x1BF5;
	[smem:$0x3FB6] =	sst s0  }
0x18: {  	s0 =	sld [smem:$0x3F99];
	_ =	swait.ge [sflag:s4], $0x0  }
0x19: {  	s7 =	sld [smem:$0x3F9A]  }
0x1a: {  	s8 =	sadd.s32 $0xFFFFE003, lr  }
0x1b: {  	s9 =	sadd.s32 $0xFFFFFEF7, lr;
	s5 =	simm.s32 $0xFFFFFFFF;
	p2 =	slt.u32 s8, $0xFFFFF086  }
0x1c: {  	p1 =	slt.u32 s9, $0xF7A;
	s5 =	simm.s32 @!p2 $0x0  }
0x1d: {  	s5 =	simm.s32 @p1 $0x1;
	p0 =	seq.s32 s7, s2  }
0x1e: {  	s7 =	smul.u32 @!p0 $0xF7A, s2;
	p2 =	seq.s32 @!p0 s5, $0x0  }
0x1f: {  	s9 =	smul.u32 $0xF7A, s1;
	s8 =	simm.s32 @!p0 $0x1BF5;
	p2 =	por !p2, p0  }
0x20: {  	[sflag:s8] =	ssyncset.s32 @!p0 $0xFFFFF086;
	s6 =	sadd.s32 @!p0 s3, s7;
	s7 =	simm.s32 @!p0 $0x108  }
0x21: {  	s3 =	sadd.s32 s3, s9;
	s6 =	sadd.s32 @!p0 $0x88, s6;
	s7 =	simm.s32 @p2 $0x1082  }
0x22: {  	[simem:s7], [sflag:s8] =	dma.local @!p0 [hbm:s6], $0xF7A  }
0x23: {  	s9 =	sor.u32 $0xD0000000, s2;
	s6 =	simm.s32 $0x108;
	_ =	swait.ge @!p0 [sflag:s8], $0x0  }
0x24: {  	s3 =	sadd.s32 $0x88, s3;
	s6 =	simm.s32 @!p1 $0x1082;
	[sflag:s4] =	ssyncset.s32 $0xFFFFF086  }
0x25: {  	[simem:s6], [sflag:s4] =	dma.local [hbm:s3], $0xF7A  }
0x26: {  	[smem:$0x3F9A] =	sst s1;
	(tag) =	ssettag s2;
	_ =	strace s9  }
0x27: {  	s1 =	sld [smem:$0x3FAA]  }
0x28: {  	s2 =	sld [smem:$0x3FAB]  }
0x29: {  	s4 =	sld [smem:$0x3FAD]  }
0x2a: {  	p0 =	seq.s32 s5, $0x0;
	s5 =	sld [smem:$0x3FAE]  }
0x2b: {  	s6 =	sld [smem:$0x3FAF]  }
0x2c: {  	s7 =	sld [smem:$0x3FB0]  }
0x2d: {  	s3 =	simm.s32 $0x108;
	s8 =	sld [smem:$0x3FB1]  }
0x2e: {  	s3 =	simm.s32 @!p0 $0x1082;
	s9 =	sld [smem:$0x3FB2]  }
0x2f: {  	lr =	sadd.s32 s0, s3;
	s0 =	sld [smem:$0x3FA9]  }
0x30: {  	s3 =	sld [smem:$0x3FAC]  }
0x31: {  	[smem:$0x3FB5] =	sst s10  }
0x32: {  	s10 =	sld [smem:$0x3FB3];
	_ =	sdelay $0x3  }
0x33: {  	p0 =	seq.s32 s10, $0x1;
	s10 =	sld [smem:$0x3FB5];
	_ =	sdelay $0x3  }
0x34: {  	[smem:$0x3FB5] =	sst s10  }
0x35: {  	s10 =	sld [smem:$0x3FB4];
	_ =	sdelay $0x3  }
0x36: {  	p1 =	seq.s32 s10, $0x1;
	s10 =	sld [smem:$0x3FB5];
	_ =	sdelay $0x3  }
0x37: {  	[smem:$0x3FB5] =	sst s10  }
0x38: {  	s10 =	sld [smem:$0x3FB6]  }
0x39: {  	_ = 	snop;
	(pc) =	sbr.ind lr, $3  }
0x3a: {  	_ = 	snop  }
0x3b: {  	_ = 	snop  }
0x3c: {  	p2 =	seq.s32 s10, $0x1;
	s10 =	sld [smem:$0x3FB5]  }
0x3d: {  	_ =	shalt  }
0x3e: {  	_ =	shalt  }
0x3f: {  	_ =	shalt  }
0x40: {  	_ =	shalt  }
0x41: {  	_ =	shalt  }
0x42: {  	_ =	shalt  }
0x43: {  	_ =	shalt  }
0x44: {  	_ =	shalt  }
0x45: {  	_ =	shalt  }
0x46: {  	_ =	shalt  }
0x47: {  	_ =	shalt  }
0x48: {  	_ =	shalt  }
0x49: {  	_ =	shalt  }
0x4a: {  	_ =	shalt  }
0x4b: {  	_ =	shalt  }
0x4c: {  	_ =	shalt  }
0x4d: {  	_ =	shalt  }
0x4e: {  	_ =	shalt  }
0x4f: {  	_ =	shalt  }
0x50: {  	_ =	shalt  }
0x51: {  	_ =	shalt  }
0x52: {  	_ =	shalt  }
0x53: {  	_ =	shalt  }
0x54: {  	_ =	shalt  }
0x55: {  	_ =	shalt  }
0x56: {  	_ =	shalt  }
0x57: {  	_ =	shalt  }
0x58: {  	_ =	shalt  }
0x59: {  	_ =	shalt  }
0x5a: {  	_ =	shalt  }
0x5b: {  	_ =	shalt  }
0x5c: {  	_ =	shalt  }
0x5d: {  	_ =	shalt  }
0x5e: {  	_ =	shalt  }
0x5f: {  	_ =	shalt  }
0x60: {  	_ =	shalt  }
0x61: {  	_ =	shalt  }
0x62: {  	_ =	shalt  }
0x63: {  	_ =	shalt  }
0x64: {  	_ =	shalt  }
0x65: {  	_ =	shalt  }
0x66: {  	_ =	shalt  }
0x67: {  	_ =	shalt  }
0x68: {  	_ =	shalt  }
0x69: {  	_ =	shalt  }
0x6a: {  	_ =	shalt  }
0x6b: {  	_ =	shalt  }
0x6c: {  	_ =	shalt  }
0x6d: {  	_ =	shalt  }
0x6e: {  	_ =	shalt  }
0x6f: {  	_ =	shalt  }
0x70: {  	_ =	shalt  }
0x71: {  	_ =	shalt  }
0x72: {  	_ =	shalt  }
0x73: {  	_ =	shalt  }
0x74: {  	_ =	shalt  }
0x75: {  	_ =	shalt  }
0x76: {  	_ =	shalt  }
0x77: {  	_ =	shalt  }
0x78: {  	_ =	shalt  }
0x79: {  	_ =	shalt  }
0x7a: {  	_ =	shalt  }
0x7b: {  	_ =	shalt  }
0x7c: {  	_ =	shalt  }
0x7d: {  	_ =	shalt  }
0x7e: {  	_ =	shalt  }
0x7f: {  	_ =	shalt  }
0x80: {  	_ =	shalt  }
0x81: {  	_ =	shalt  }
0x82: {  	_ =	shalt  }
0x83: {  	_ =	shalt  }
0x84: {  	_ =	shalt  }
0x85: {  	_ =	shalt  }
0x86: {  	_ =	shalt  }
0x87: {  	_ =	shalt  }
.Lfunc_end0:
.L_simem_size_0:
called_computation_lowered:
.L_overlay_start_0:
0x88: {  	s2 =	sld [smem:$0x3FD9]  }
0x89: {  	s3 =	sld [smem:$0x3FFE];
	_ =	sdelay $0x1  }
0x8a: {  	s1 =	srdreg.scid  }
0x8b: {  	s0 =	sand.u32 $0x1, s1  }
0x8c: {  	s17 =	sshll.u32 s0, $0xA;
	s2 =	sadd.s32 s3, s2  }
0x8d: {  	s2 =	sadd.s32 s2, s17  }
0x8e: {  	[smem:$0x3FC1] =	sst s2  }
0x8f: {  	_ = 	snop  }
0x90: {  	s2 =	sld [smem:$0x3FC9]  }
0x91: {  	s18 =	sld [smem:$0x3FD0];
	(tm) =	ssettm $0x1  }
0x92: {  	s4 =	sld [smem:$0x3FFB];
	_ =	sdelay $0x3  }
0x93: {  	_ =	strace s4  }
0x94: {  	s4 =	sld [smem:$0x3FFC];
	_ =	sdelay $0x3  }
0x95: {  	_ =	strace s4  }
0x96: {  	s4 =	sld [smem:$0x3FFD];
	_ =	sdelay $0x3  }
0x97: {  	_ =	strace s4  }
0x98: {  	_ =	strace $0x8FFFFFFF  }
0x99: {  	s19 =	sld [smem:$0x3FDB];
	_ =	sdelay $0x1  }
0x9a: {  	s5 =	simm.s32 $_scs_section_size  }
0x9b: {  	s6 =	simm.s32 $_size__tile_overlayer_lowered;
	s7 =	simm.s32 $_tile_overlayer_lowered  }
0x9c: {  	s22 =	simm.s32 $0x1BFF;
	s21 =	sshll.u32 s7, $0x1;
	s4 =	sadd.s32 s5, s19  }
0x9d: {  	s8 =	simm.s32 $0x0;
	s20 =	sshll.u32 s6, $0x1;
	s6 =	sadd.s32 s21, s4  }
0x9e: {  	[timem:s8], [sflag:s22] =	dma.local [hbm:s6], s20  }
0x9f: {  	_ =	swait.ge [sflag:s22], s20  }
0xa0: {  	s5 =	ssub.s32 $0x0, s20;
	[sflag:s22] =	ssyncset.done $0x0  }
0xa1: {  	[sflag:s22] =	ssyncadd.s32 s5;
	_ =	sdelay $0x1  }
0xa2: {  	s23 =	simm.s32 $0x1B8B  }
0xa3: {  	_ =	swait.ge [sflag:s23], $0x1  }
0xa4: {  	[sflag:s23] =	ssyncset.done $0x0  }
0xa5: {  	s25 =	simm.s32 $0x1B8E;
	s24 =	sld [smem:$0x3FFE];
	[sflag:s23] =	ssyncadd.s32 $0xFFFFFFFF  }
0xa6: {  	s26 =	simm.s32 $execute0_lowered;
	[smem:$0x3FD2] =	sst s25  }
0xa7: {  	s6 =	sshll.u32 s26, $0x1;
	_ =	strace $0x80000046;
	[dreg:$0x1] =	wrdreg $0xFFFFFFFF  }
0xa8: {  	s28 =	simm.s32 $_size_execute0_lowered;
	s4 =	sadd.s32 s4, s6;
	[dreg:$0x0] =	wrdreg $0x0  }
0xa9: {  	s6 =	sshll.u32 s28, $0x1;
	[dreg:$0x2] =	wrdreg s4  }
0xaa: {  	[dreg:$0x3] =	wrdreg s6  }
0xab: {  	[dreg:$0x4] =	wrdreg $0xC0  }
0xac: {  	_ =	task [dreg:s8], $0x5FFFF  }
0xad: {  	[dreg:$0x1] =	wrdreg $0xFFFFFFFF  }
0xae: {  	[dreg:$0x0] =	wrdreg $0x60  }
0xaf: {  	[dreg:$0x2] =	wrdreg s2  }
0xb0: {  	[dreg:$0x3] =	wrdreg s18  }
0xb1: {  	[dreg:$0x4] =	wrdreg s24  }
0xb2: {  	[dreg:$0x5] =	wrdreg $0x0  }
0xb3: {  	[dreg:$0x6] =	wrdreg $0x9  }
0xb4: {  	_ =	task.clear_ibuf [dreg:s8], $0x7FFFF;
	_ =	strace $0x90000046  }
0xb5: {  	s29 =	simm.s32 $0x9;
	_ =	strace $0x80000048  }
0xb6: {  	_ =	swait.ge [sflag:s29], $0x1  }
0xb7: {  	[sflag:s29] =	ssyncadd.s32 $0xFFFFFFFF  }
0xb8: {  	_ =	strace $0x90000048  }
0xb9: {  	_ =	sfence  }
0xba: {  	s30 =	sld [smem:$0x0];
	_ =	sdelay $0x2  }
0xbb: {  	s31 =	sshll.u32 s1, $0xD;
	s1 =	sshrl.u32 s1, $0x2  }
0xbc: {  	s3 =	sand.u32 $0x4000, s31;
	s1 =	sadd.s32 s1, s30  }
0xbd: {  	s0 =	sor.u32 s3, s0;
	s1 =	sshll.u32 s1, $0x11  }
0xbe: {  	s0 =	sor.u32 s1, s0  }
0xbf: {  	s0 =	sadd.s32 $0x8F2B, s0  }
0xc0: {  	[sflag:s0] =	ssyncadd.remote.s32 $0x1  }
0xc1: {  	_ =	sfence.sel $0xFFFF  }
0xc2: {  	[dreg:$0x0] =	wrdreg $0xFFFFFFFF;
	(pc) =	sbr.abs _section_cstart, $3  }
0xc3: {  	[dreg:$0x1] =	wrdreg $0xFFFFFFFF  }
0xc4: {  	_ =	task.clear_ibuf [dreg:s8], $0x2FFFF;
	_ =	strace $0x9FFFFFFF  }
0xc5: {  	(tm) =	ssettm $0x7FFFFFFF  }
tec
execute0_lowered:
.L_overlay_start_1:
0x0: {  	(tag) =	ssettag $0x1  }
0x1: {  	s1 =	rddreg [dreg:$0x0]  }
0x2: {  	s7 =	rddreg [dreg:$0x1]  }
0x3: {  	s6 =	rddreg [dreg:$0x2]  }
0x4: {  	s2 =	rddreg [dreg:$0x3];
	s0 =	simm.s32 $0x0  }
0x5: {  	s5 =	srdreg.scid;
	s4 =	stileid.u32;
	s21 =	simm.s32 $0x80  }
0x6: {  	s22 =	simm.s32 $0x2;
	s23 =	simm.s32 $0x1BC80;
	s24 =	simm.s32 $0x1  }
0x7: {  	s25 =	simm.s32 $0x0;
	[smem:$0x7FF] =	sst s0;
	s10 =	smul.u32 $0x4E000, s4  }
0x8: {  	s13 =	sand.u32 $0x1, s5;
	s26 =	sshll.u32 s4, $0x1;
	s18 =	smul.u32 $0x13800, s4  }
0x9: {  	s5 =	sadd.s32 $0x1200, s6;
	s14 =	sadd.s32 $0xB200, s6;
	s19 =	smul.u32 $0x5000, s4  }
0xa: {  	s12 =	sadd.s32 $0x138000, s2;
	p0 =	sne.s32 s4, $0x0;
	_ =	strace $0x80000047  }
0xb: {  	s8 =	ssub.s32 $0x2, s13;
	s9 =	sor.u32 s13, s26;
	s17 =	smul.u32 $0x138800, s13  }
0xc: {  	s20 =	smul.u32 $0x2800, s13;
	s11 =	sshrl.u32 s8, $0x1;
	s28 =	sshrl.u32 s10, $0x2  }
0xd: {  	s9 =	smul.u32 $0x2800, s9;
	s16 =	ssub.s32 s8, s11;
	s6 =	sadd.s32 s28, s2  }
0xe: {  	s29 =	sadd.s32 s18, s17;
	s17 =	sshrl.u32 s17, $0x3;
	s30 =	sadd.s32 s20, s19  }
0xf: {  	s18 =	simm.s32 $0x3;
	s19 =	simm.s32 $0x17C80;
	s20 =	simm.s32 $0x16C80  }
0x10: {  	s15 =	sshrl.u32 s9, $0x3;
	s8 =	sadd.s32 $0x4000, s6;
	s9 =	sadd.s32 $0x8000, s6  }
0x11: {  	s10 =	sadd.s32 $0xC000, s6;
	s11 =	sadd.s32 $0x10000, s6;
	s17 =	sadd.s32 s14, s17  }
0x12: {  	s31 =	sadd.s32 $0x800, s30;
	s16 =	smax.u32 s16, $0x1;
	s7 =	sadd.s32 s7, s15  }
0x13: {  	s13 =	sadd.s32 s5, s15;
	s15 =	sshrl.u32 s29, $0x3;
	[dreg:$0x5] =	wrdreg s31  }
0x14: {  	v0 =	vimm.f32 $0.0e+00;
	s14 =	sadd.s32 s14, s15;
	s15 =	sadd.s32 $0x27000, s17;
	s17 =	simm.s32 $0x14480  }
.LBB2_1:
0x15: {  	s0 =	simm.s32 $0x0  }
0x16: {  	[tilespmem:s17], [sflag:$0x3] =	stream.linear.gather [hbm4b:s7+s0], $0x2800, $0x38;
	[tilespmem:$0x1FC80] =	vst v63  }
0x17: {  	_ =	swait.ge [sflag:s18], $0x2800  }
0x18: {  	[sflag:s18] =	ssyncset.done $0x0  }
0x19: {  	s26 =	simm.s32 $0x0;
	s28 =	simm.s32 $0x200;
	[sflag:s18] =	ssyncadd.s32 $0xFFFFD800  }
.LBB2_2:
0x1a: {  	p1 =	sne.s32 s28, $0xFE00;
	[tilespmem:s26+$0x17CF0] =	vst v0  }
0x1b: {  	[tilespmem:s26+$0x17C80] =	vst v0  }
0x1c: {  	[tilespmem:s26+$0x17C90] =	vst v0  }
.Ltmp0:
0x1d: {  	[tilespmem:s26+$0x17CA0] =	vst v0;
	(pc) =	sbr.rel @p1 .LBB2_2-.Ltmp0, $4  }
0x1e: {  	[tilespmem:s26+$0x17CB0] =	vst v0  }
0x1f: {  	[tilespmem:s26+$0x17CC0] =	vst v0  }
0x20: {  	[tilespmem:s26+$0x17CD0] =	vst v0  }
0x21: {  	[tilespmem:s26+$0x17CE0] =	vst v0;
	s26 =	sshra.s32 s28, $0x2;
	s28 =	sadd.s32 $0x200, s28  }
0x22: {  	[tilespmem:s26+$0x17CF0] =	vst v0  }
0x23: {  	[tilespmem:s26+$0x17C80] =	vst v0  }
0x24: {  	[tilespmem:s26+$0x17C90] =	vst v0  }
0x25: {  	[tilespmem:s26+$0x17CA0] =	vst v0  }
0x26: {  	[tilespmem:s26+$0x17CB0] =	vst v0  }
0x27: {  	[tilespmem:s26+$0x17CC0] =	vst v0  }
0x28: {  	[tilespmem:s26+$0x17CD0] =	vst v0  }
0x29: {  	[tilespmem:s26+$0x17CE0] =	vst v0  }
0x2a: {  	[spmem:s6] =	stream.linear.scatter [tilespmem:s19], [sflag:$0x3], $0x4000, $0x38;
	[tilespmem:$0x1FC80] =	vst v63  }
0x2b: {  	_ =	swait.ge [sflag:s18], $0x4000  }
0x2c: {  	[sflag:s18] =	ssyncset.done $0x0  }
0x2d: {  	[sflag:s18] =	ssyncadd.s32 $0xFFFFC000  }
0x2e: {  	[spmem:s8] =	stream.linear.scatter [tilespmem:s19], [sflag:$0x3], $0x4000, $0x38;
	[tilespmem:$0x1FC80] =	vst v63  }
0x2f: {  	_ =	swait.ge [sflag:s18], $0x4000  }
0x30: {  	[sflag:s18] =	ssyncset.done $0x0  }
0x31: {  	[sflag:s18] =	ssyncadd.s32 $0xFFFFC000  }
0x32: {  	[spmem:s9] =	stream.linear.scatter [tilespmem:s19], [sflag:$0x3], $0x4000, $0x38;
	[tilespmem:$0x1FC80] =	vst v63  }
0x33: {  	_ =	swait.ge [sflag:s18], $0x4000  }
0x34: {  	[sflag:s18] =	ssyncset.done $0x0  }
0x35: {  	[sflag:s18] =	ssyncadd.s32 $0xFFFFC000  }
0x36: {  	[spmem:s10] =	stream.linear.scatter [tilespmem:s19], [sflag:$0x3], $0x4000, $0x38;
	[tilespmem:$0x1FC80] =	vst v63  }
0x37: {  	_ =	swait.ge [sflag:s18], $0x4000  }
0x38: {  	[sflag:s18] =	ssyncset.done $0x0  }
0x39: {  	[sflag:s18] =	ssyncadd.s32 $0xFFFFC000  }
0x3a: {  	[spmem:s11] =	stream.linear.scatter [tilespmem:s19], [sflag:$0x3], $0x3800, $0x38;
	[tilespmem:$0x1FC80] =	vst v63  }
0x3b: {  	_ =	swait.ge [sflag:s18], $0x3800  }
0x3c: {  	[sflag:s18] =	ssyncset.done $0x0  }
0x3d: {  	s26 =	simm.s32 @!p0 $0x17C80;
	[sflag:s18] =	ssyncadd.s32 $0xFFFFC800  }
0x3e: {  	[spmem:s12] =	stream.linear.scatter @!p0 [tilespmem:s26], [sflag:$0x3], $0x800, $0x38;
	[tilespmem:$0x1FC80] =	vst v63  }
0x3f: {  	s26 =	simm.s32 @!p0 $0x3  }
0x40: {  	_ =	swait.ge @!p0 [sflag:s26], $0x800  }
0x41: {  	[sflag:s26] =	ssyncset.done @!p0 $0x0  }
0x42: {  	[sflag:s26] =	ssyncadd.s32 @!p0 $0xFFFFF800  }
0x43: {  	s26 =	simm.s32 $0x0;
	[bflag:$0x0] =	sbarrier.arrive $0xFFFF  }
0x44: {  	[tilespmem:s20], [sflag:$0x2] =	stream.linear.gather [hbm4b:s13+s26], $0x800, $0x38;
	[tilespmem:$0x1FC80] =	vst v63  }
0x45: {  	_ = 	snop  }
0x46: {  	[tilespmem:s19], [sflag:$0x1] =	stream.indirect.gather [hbm4b:s1+s21], $0x80, s17, s21, $0xb8;
	[tilespmem:$0x1FC80] =	vst v63  }
0x47: {  	p1 =	por $0x0, $0x0;
	_ =	swait.ge [sflag:s22], $0x800  }
0x48: {  	s29 =	sxor.u32 @!p1 $0xFFFFFFFF, s26;
	s28 =	rddreg [dreg:$0x5]  }
0x49: {  	s30 =	simm.s32 @!p1 $0x0;
	s29 =	sand.u32 @!p1 $0x2000, s29;
	s28 =	sadd.s32 @!p1 $0x0, s28  }
0x4a: {  	s29 =	sshrl.u32 @!p1 s29, $0x2;
	[sflag:s22] =	ssyncset.done $0x0;
	s28 =	sshrl.u32 @!p1 s28, $0x3  }
0x4b: {  	s29 =	sadd.s32 @!p1 $0x16C80, s29;
	[sflag:s22] =	ssyncadd.s32 $0xFFFFF800;
	s28 =	sadd.s32 @!p1 s5, s28  }
0x4c: {  	[tilespmem:s29], [sflag:$0x2] =	stream.linear.gather @!p1 [hbm4b:s28+s30], $0x800, $0x38;
	[tilespmem:$0x1FC80] =	vst v63  }
0x4d: {  	s28 =	simm.s32 $0x14500  }
0x4e: {  	[tilespmem:s23], [sflag:$0x1] =	stream.indirect.gather [hbm4b:s1+s21], $0x80, s28, s21, $0xb8;
	[tilespmem:$0x1FC80] =	vst v63  }
0x4f: {  	_ =	swait.ge [sflag:s24], $0x4000  }
0x50: {  	s28 =	sand.u32 $0x800, s26;
	[sflag:s24] =	ssyncset.done $0x0  }
0x51: {  	s31 =	sadd.s32 $0x16C80, s28;
	[sflag:s24] =	ssyncadd.s32 $0xFFFFC000  }
0x52: {  	[spmem:s2] =	stream.indirect.scatter.add.f32 [tilespmem:s19], [sflag:$0x3], $0x80, s31, s21, $0xb8;
	[tilespmem:$0x1FC80] =	vst v63  }
0x53: {  	_ =	swait.ge [sflag:s18], $0x4000  }
0x54: {  	[sflag:s18] =	ssyncset.done $0x0  }
0x55: {  	s0 =	simm.s32 $0x14580;
	[sflag:s18] =	ssyncadd.s32 $0xFFFFC000  }
0x56: {  	[tilespmem:s19], [sflag:$0x1] =	stream.indirect.gather [hbm4b:s1+s21], $0x80, s0, s21, $0xb8;
	[tilespmem:$0x1FC80] =	vst v63  }
0x57: {  	_ =	swait.ge [sflag:s24], $0x4000  }
0x58: {  	[sflag:s24] =	ssyncset.done $0x0  }
0x59: {  	s3 =	sadd.s32 $0x16D00, s28;
	[sflag:s24] =	ssyncadd.s32 $0xFFFFC000  }
0x5a: {  	[spmem:s2] =	stream.indirect.scatter.add.f32 [tilespmem:s23], [sflag:$0x3], $0x80, s3, s21, $0xb8;
	[tilespmem:$0x1FC80] =	vst v63  }
0x5b: {  	_ =	swait.ge [sflag:s18], $0x4000  }
0x5c: {  	[sflag:s18] =	ssyncset.done $0x0  }
0x5d: {  	s30 =	simm.s32 $0x14600;
	[sflag:s18] =	ssyncadd.s32 $0xFFFFC000  }
0x5e: {  	[tilespmem:s23], [sflag:$0x1] =	stream.indirect.gather [hbm4b:s1+s21], $0x80, s30, s21, $0xb8;
	[tilespmem:$0x1FC80] =	vst v63  }
0x5f: {  	_ =	swait.ge [sflag:s24], $0x4000  }
0x60: {  	[sflag:s24] =	ssyncset.done $0x0  }
0x61: {  	s31 =	sadd.s32 $0x16D80, s28;
	[sflag:s24] =	ssyncadd.s32 $0xFFFFC000  }
0x62: {  	[spmem:s2] =	stream.indirect.scatter.add.f32 [tilespmem:s19], [sflag:$0x3], $0x80, s31, s21, $0xb8;
	[tilespmem:$0x1FC80] =	vst v63  }
0x63: {  	_ =	swait.ge [sflag:s18], $0x4000  }
0x64: {  	[sflag:s18] =	ssyncset.done $0x0  }
0x65: {  	s0 =	simm.s32 $0x14680;
	[sflag:s18] =	ssyncadd.s32 $0xFFFFC000  }
0x66: {  	[tilespmem:s19], [sflag:$0x1] =	stream.indirect.gather [hbm4b:s1+s21], $0x80, s0, s21, $0xb8;
	[tilespmem:$0x1FC80] =	vst v63  }
0x67: {  	_ =	swait.ge [sflag:s24], $0x4000  }
0x68: {  	[sflag:s24] =	ssyncset.done $0x0  }
0x69: {  	s3 =	sadd.s32 $0x16E00, s28;
	[sflag:s24] =	ssyncadd.s32 $0xFFFFC000  }
0x6a: {  	[spmem:s2] =	stream.indirect.scatter.add.f32 [tilespmem:s23], [sflag:$0x3], $0x80, s3, s21, $0xb8;
	[tilespmem:$0x1FC80] =	vst v63  }
0x6b: {  	_ =	swait.ge [sflag:s18], $0x4000  }
0x6c: {  	[sflag:s18] =	ssyncset.done $0x0  }
0x6d: {  	s30 =	simm.s32 $0x14700;
	[sflag:s18] =	ssyncadd.s32 $0xFFFFC000  }
0x6e: {  	[tilespmem:s23], [sflag:$0x1] =	stream.indirect.gather [hbm4b:s1+s21], $0x80, s30, s21, $0xb8;
	[tilespmem:$0x1FC80] =	vst v63  }
0x6f: {  	_ =	swait.ge [sflag:s24], $0x4000  }
0x70: {  	[sflag:s24] =	ssyncset.done $0x0  }
0x71: {  	s31 =	sadd.s32 $0x16E80, s28;
	[sflag:s24] =	ssyncadd.s32 $0xFFFFC000  }
0x72: {  	[spmem:s2] =	stream.indirect.scatter.add.f32 [tilespmem:s19], [sflag:$0x3], $0x80, s31, s21, $0xb8;
	[tilespmem:$0x1FC80] =	vst v63  }
0x73: {  	_ =	swait.ge [sflag:s18], $0x4000  }
0x74: {  	[sflag:s18] =	ssyncset.done $0x0  }
0x75: {  	s0 =	simm.s32 $0x14780;
	[sflag:s18] =	ssyncadd.s32 $0xFFFFC000  }
0x76: {  	[tilespmem:s19], [sflag:$0x1] =	stream.indirect.gather [hbm4b:s1+s21], $0x80, s0, s21, $0xb8;
	[tilespmem:$0x1FC80] =	vst v63  }
0x77: {  	_ =	swait.ge [sflag:s24], $0x4000  }
0x78: {  	[sflag:s24] =	ssyncset.done $0x0  }
0x79: {  	s3 =	sadd.s32 $0x16F00, s28;
	[sflag:s24] =	ssyncadd.s32 $0xFFFFC000  }
0x7a: {  	[spmem:s2] =	stream.indirect.scatter.add.f32 [tilespmem:s23], [sflag:$0x3], $0x80, s3, s21, $0xb8;
	[tilespmem:$0x1FC80] =	vst v63  }
0x7b: {  	_ =	swait.ge [sflag:s18], $0x4000  }
0x7c: {  	[sflag:s18] =	ssyncset.done $0x0  }
0x7d: {  	s30 =	simm.s32 $0x14800;
	[sflag:s18] =	ssyncadd.s32 $0xFFFFC000  }
0x7e: {  	[tilespmem:s23], [sflag:$0x1] =	stream.indirect.gather [hbm4b:s1+s21], $0x80, s30, s21, $0xb8;
	[tilespmem:$0x1FC80] =	vst v63  }
0x7f: {  	_ =	swait.ge [sflag:s24], $0x4000  }
0x80: {  	[sflag:s24] =	ssyncset.done $0x0  }
0x81: {  	s31 =	sadd.s32 $0x16F80, s28;
	[sflag:s24] =	ssyncadd.s32 $0xFFFFC000  }
0x82: {  	[spmem:s2] =	stream.indirect.scatter.add.f32 [tilespmem:s19], [sflag:$0x3], $0x80, s31, s21, $0xb8;
	[tilespmem:$0x1FC80] =	vst v63  }
0x83: {  	_ =	swait.ge [sflag:s18], $0x4000  }
0x84: {  	[sflag:s18] =	ssyncset.done $0x0  }
0x85: {  	s0 =	simm.s32 $0x14880;
	[sflag:s18] =	ssyncadd.s32 $0xFFFFC000  }
0x86: {  	[tilespmem:s19], [sflag:$0x1] =	stream.indirect.gather [hbm4b:s1+s21], $0x80, s0, s21, $0xb8;
	[tilespmem:$0x1FC80] =	vst v63  }
0x87: {  	_ =	swait.ge [sflag:s24], $0x4000  }
0x88: {  	[sflag:s24] =	ssyncset.done $0x0  }
0x89: {  	s3 =	sor.u32 $0x17000, s28;
	[sflag:s24] =	ssyncadd.s32 $0xFFFFC000  }
0x8a: {  	[spmem:s2] =	stream.indirect.scatter.add.f32 [tilespmem:s23], [sflag:$0x3], $0x80, s3, s21, $0xb8;
	[tilespmem:$0x1FC80] =	vst v63  }
0x8b: {  	_ =	swait.ge [sflag:s18], $0x4000  }
0x8c: {  	[sflag:s18] =	ssyncset.done $0x0  }
0x8d: {  	s30 =	simm.s32 $0x14900;
	[sflag:s18] =	ssyncadd.s32 $0xFFFFC000  }
0x8e: {  	[tilespmem:s23], [sflag:$0x1] =	stream.indirect.gather [hbm4b:s1+s21], $0x80, s30, s21, $0xb8;
	[tilespmem:$0x1FC80] =	vst v63  }
0x8f: {  	_ =	swait.ge [sflag:s24], $0x4000  }
0x90: {  	[sflag:s24] =	ssyncset.done $0x0  }
0x91: {  	s31 =	sor.u32 $0x17080, s28;
	[sflag:s24] =	ssyncadd.s32 $0xFFFFC000  }
0x92: {  	[spmem:s2] =	stream.indirect.scatter.add.f32 [tilespmem:s19], [sflag:$0x3], $0x80, s31, s21, $0xb8;
	[tilespmem:$0x1FC80] =	vst v63  }
0x93: {  	_ =	swait.ge [sflag:s18], $0x4000  }
0x94: {  	[sflag:s18] =	ssyncset.done $0x0  }
0x95: {  	s0 =	simm.s32 $0x14980;
	[sflag:s18] =	ssyncadd.s32 $0xFFFFC000  }
0x96: {  	[tilespmem:s19], [sflag:$0x1] =	stream.indirect.gather [hbm4b:s1+s21], $0x80, s0, s21, $0xb8;
	[tilespmem:$0x1FC80] =	vst v63  }
0x97: {  	_ =	swait.ge [sflag:s24], $0x4000  }
0x98: {  	[sflag:s24] =	ssyncset.done $0x0  }
0x99: {  	s3 =	sor.u32 $0x17100, s28;
	[sflag:s24] =	ssyncadd.s32 $0xFFFFC000  }
0x9a: {  	[spmem:s2] =	stream.indirect.scatter.add.f32 [tilespmem:s23], [sflag:$0x3], $0x80, s3, s21, $0xb8;
	[tilespmem:$0x1FC80] =	vst v63  }
0x9b: {  	_ =	swait.ge [sflag:s18], $0x4000  }
0x9c: {  	[sflag:s18] =	ssyncset.done $0x0  }
0x9d: {  	s30 =	simm.s32 $0x14A00;
	[sflag:s18] =	ssyncadd.s32 $0xFFFFC000  }
0x9e: {  	[tilespmem:s23], [sflag:$0x1] =	stream.indirect.gather [hbm4b:s1+s21], $0x80, s30, s21, $0xb8;
	[tilespmem:$0x1FC80] =	vst v63  }
0x9f: {  	_ =	swait.ge [sflag:s24], $0x4000  }
0xa0: {  	[sflag:s24] =	ssyncset.done $0x0  }
0xa1: {  	s31 =	sor.u32 $0x17180, s28;
	[sflag:s24] =	ssyncadd.s32 $0xFFFFC000  }
0xa2: {  	[spmem:s2] =	stream.indirect.scatter.add.f32 [tilespmem:s19], [sflag:$0x3], $0x80, s31, s21, $0xb8;
	[tilespmem:$0x1FC80] =	vst v63  }
0xa3: {  	_ =	swait.ge [sflag:s18], $0x4000  }
0xa4: {  	[sflag:s18] =	ssyncset.done $0x0  }
0xa5: {  	s0 =	simm.s32 $0x14A80;
	[sflag:s18] =	ssyncadd.s32 $0xFFFFC000  }
0xa6: {  	[tilespmem:s19], [sflag:$0x1] =	stream.indirect.gather [hbm4b:s1+s21], $0x80, s0, s21, $0xb8;
	[tilespmem:$0x1FC80] =	vst v63  }
0xa7: {  	_ =	swait.ge [sflag:s24], $0x4000  }
0xa8: {  	[sflag:s24] =	ssyncset.done $0x0  }
0xa9: {  	s3 =	sor.u32 $0x17200, s28;
	[sflag:s24] =	ssyncadd.s32 $0xFFFFC000  }
0xaa: {  	[spmem:s2] =	stream.indirect.scatter.add.f32 [tilespmem:s23], [sflag:$0x3], $0x80, s3, s21, $0xb8;
	[tilespmem:$0x1FC80] =	vst v63  }
0xab: {  	_ =	swait.ge [sflag:s18], $0x4000  }
0xac: {  	[sflag:s18] =	ssyncset.done $0x0  }
0xad: {  	s30 =	simm.s32 $0x14B00;
	[sflag:s18] =	ssyncadd.s32 $0xFFFFC000  }
0xae: {  	[tilespmem:s23], [sflag:$0x1] =	stream.indirect.gather [hbm4b:s1+s21], $0x80, s30, s21, $0xb8;
	[tilespmem:$0x1FC80] =	vst v63  }
0xaf: {  	_ =	swait.ge [sflag:s24], $0x4000  }
0xb0: {  	[sflag:s24] =	ssyncset.done $0x0  }
0xb1: {  	s31 =	sor.u32 $0x17280, s28;
	[sflag:s24] =	ssyncadd.s32 $0xFFFFC000  }
0xb2: {  	[spmem:s2] =	stream.indirect.scatter.add.f32 [tilespmem:s19], [sflag:$0x3], $0x80, s31, s21, $0xb8;
	[tilespmem:$0x1FC80] =	vst v63  }
0xb3: {  	_ =	swait.ge [sflag:s18], $0x4000  }
0xb4: {  	[sflag:s18] =	ssyncset.done $0x0  }
0xb5: {  	s0 =	simm.s32 $0x14B80;
	[sflag:s18] =	ssyncadd.s32 $0xFFFFC000  }
0xb6: {  	[tilespmem:s19], [sflag:$0x1] =	stream.indirect.gather [hbm4b:s1+s21], $0x80, s0, s21, $0xb8;
	[tilespmem:$0x1FC80] =	vst v63  }
0xb7: {  	_ =	swait.ge [sflag:s24], $0x4000  }
0xb8: {  	[sflag:s24] =	ssyncset.done $0x0  }
0xb9: {  	s3 =	sor.u32 $0x17300, s28;
	[sflag:s24] =	ssyncadd.s32 $0xFFFFC000  }
0xba: {  	[spmem:s2] =	stream.indirect.scatter.add.f32 [tilespmem:s23], [sflag:$0x3], $0x80, s3, s21, $0xb8;
	[tilespmem:$0x1FC80] =	vst v63  }
0xbb: {  	_ =	swait.ge [sflag:s18], $0x4000  }
0xbc: {  	[sflag:s18] =	ssyncset.done $0x0  }
0xbd: {  	s30 =	simm.s32 $0x14C00;
	[sflag:s18] =	ssyncadd.s32 $0xFFFFC000  }
0xbe: {  	[tilespmem:s23], [sflag:$0x1] =	stream.indirect.gather [hbm4b:s1+s21], $0x80, s30, s21, $0xb8;
	[tilespmem:$0x1FC80] =	vst v63  }
0xbf: {  	_ =	swait.ge [sflag:s24], $0x4000  }
0xc0: {  	[sflag:s24] =	ssyncset.done $0x0  }
0xc1: {  	s31 =	sor.u32 $0x17380, s28;
	[sflag:s24] =	ssyncadd.s32 $0xFFFFC000  }
0xc2: {  	[spmem:s2] =	stream.indirect.scatter.add.f32 [tilespmem:s19], [sflag:$0x3], $0x80, s31, s21, $0xb8;
	[tilespmem:$0x1FC80] =	vst v63  }
0xc3: {  	_ =	swait.ge [sflag:s18], $0x4000  }
0xc4: {  	s29 =	simm.s32 @!p1 $0x14C80;
	[sflag:s18] =	ssyncset.done $0x0  }
0xc5: {  	s30 =	simm.s32 @!p1 $0x80;
	s31 =	simm.s32 @!p1 $0x17C80;
	[sflag:s18] =	ssyncadd.s32 $0xFFFFC000  }
0xc6: {  	[tilespmem:s31], [sflag:$0x1] =	stream.indirect.gather @!p1 [hbm4b:s1+s30], $0x80, s29, s30, $0xb8;
	[tilespmem:$0x1FC80] =	vst v63  }
0xc7: {  	_ =	swait.ge [sflag:s24], $0x4000  }
0xc8: {  	[sflag:s24] =	ssyncset.done $0x0  }
0xc9: {  	s28 =	sadd.s32 $0x17400, s28;
	[sflag:s24] =	ssyncadd.s32 $0xFFFFC000  }
0xca: {  	[spmem:s2] =	stream.indirect.scatter.add.f32 [tilespmem:s23], [sflag:$0x3], $0x80, s28, s21, $0xb8;
	[tilespmem:$0x1FC80] =	vst v63  }
0xcb: {  	_ =	swait.ge [sflag:s18], $0x4000  }
0xcc: {  	s28 =	simm.s32 $0x2000;
	[sflag:s18] =	ssyncset.done $0x0  }
.LBB2_4:
0xcd: {  	[sflag:s18] =	ssyncadd.s32 $0xFFFFC000;
	s29 =	smov.u32 s28  }
0xce: {  	s26 =	sadd.s32 $0x800, s26;
	_ =	swait.ge [sflag:s22], $0x800;
	p2 =	seq.s32 s29, $0x8000  }
0xcf: {  	s31 =	sshra.s32 s29, $0x2;
	s30 =	rddreg [dreg:$0x5];
	s0 =	sxor.u32 @!p2 $0xFFFFFFFF, s29  }
0xd0: {  	s3 =	simm.s32 @!p2 $0x0;
	s30 =	sadd.s32 @!p2 s26, s30;
	s0 =	sand.u32 @!p2 $0x2000, s0  }
0xd1: {  	[sflag:s22] =	ssyncset.done $0x0;
	s0 =	sshrl.u32 @!p2 s0, $0x2;
	s30 =	sshrl.u32 @!p2 s30, $0x3  }
0xd2: {  	[sflag:s22] =	ssyncadd.s32 $0xFFFFF800;
	s0 =	sadd.s32 @!p2 $0x16C80, s0;
	s30 =	sadd.s32 @!p2 s5, s30  }
0xd3: {  	[tilespmem:s0], [sflag:$0x2] =	stream.linear.gather @!p2 [hbm4b:s30+s3], $0x800, $0x38;
	[tilespmem:$0x1FC80] =	vst v63  }
0xd4: {  	s3 =	sadd.s32 $0x14500, s31  }
0xd5: {  	[tilespmem:s23], [sflag:$0x1] =	stream.indirect.gather [hbm4b:s1+s21], $0x80, s3, s21, $0xb8;
	[tilespmem:$0x1FC80] =	vst v63  }
0xd6: {  	s29 =	sshra.s32 @!p2 s29, $0x2;
	_ =	swait.ge [sflag:s24], $0x4000  }
0xd7: {  	s30 =	sadd.s32 @!p2 $0x14C80, s29;
	s29 =	sand.u32 $0x800, s26;
	[sflag:s24] =	ssyncset.done $0x0  }
0xd8: {  	s3 =	sadd.s32 $0x16C80, s29;
	[sflag:s24] =	ssyncadd.s32 $0xFFFFC000  }
0xd9: {  	[spmem:s2] =	stream.indirect.scatter.add.f32 [tilespmem:s19], [sflag:$0x3], $0x80, s3, s21, $0xb8;
	[tilespmem:$0x1FC80] =	vst v63  }
0xda: {  	_ =	swait.ge [sflag:s18], $0x4000  }
0xdb: {  	[sflag:s18] =	ssyncset.done $0x0  }
0xdc: {  	s3 =	sadd.s32 $0x14580, s31;
	[sflag:s18] =	ssyncadd.s32 $0xFFFFC000  }
0xdd: {  	[tilespmem:s19], [sflag:$0x1] =	stream.indirect.gather [hbm4b:s1+s21], $0x80, s3, s21, $0xb8;
	[tilespmem:$0x1FC80] =	vst v63  }
0xde: {  	_ =	swait.ge [sflag:s24], $0x4000  }
0xdf: {  	[sflag:s24] =	ssyncset.done $0x0  }
0xe0: {  	s3 =	sadd.s32 $0x16D00, s29;
	[sflag:s24] =	ssyncadd.s32 $0xFFFFC000  }
0xe1: {  	[spmem:s2] =	stream.indirect.scatter.add.f32 [tilespmem:s23], [sflag:$0x3], $0x80, s3, s21, $0xb8;
	[tilespmem:$0x1FC80] =	vst v63  }
0xe2: {  	_ =	swait.ge [sflag:s18], $0x4000  }
0xe3: {  	[sflag:s18] =	ssyncset.done $0x0  }
0xe4: {  	s3 =	sadd.s32 $0x14600, s31;
	[sflag:s18] =	ssyncadd.s32 $0xFFFFC000  }
0xe5: {  	[tilespmem:s23], [sflag:$0x1] =	stream.indirect.gather [hbm4b:s1+s21], $0x80, s3, s21, $0xb8;
	[tilespmem:$0x1FC80] =	vst v63  }
0xe6: {  	_ =	swait.ge [sflag:s24], $0x4000  }
0xe7: {  	[sflag:s24] =	ssyncset.done $0x0  }
0xe8: {  	s3 =	sadd.s32 $0x16D80, s29;
	[sflag:s24] =	ssyncadd.s32 $0xFFFFC000  }
0xe9: {  	[spmem:s2] =	stream.indirect.scatter.add.f32 [tilespmem:s19], [sflag:$0x3], $0x80, s3, s21, $0xb8;
	[tilespmem:$0x1FC80] =	vst v63  }
0xea: {  	_ =	swait.ge [sflag:s18], $0x4000  }
0xeb: {  	[sflag:s18] =	ssyncset.done $0x0  }
0xec: {  	s3 =	sadd.s32 $0x14680, s31;
	[sflag:s18] =	ssyncadd.s32 $0xFFFFC000  }
0xed: {  	[tilespmem:s19], [sflag:$0x1] =	stream.indirect.gather [hbm4b:s1+s21], $0x80, s3, s21, $0xb8;
	[tilespmem:$0x1FC80] =	vst v63  }
0xee: {  	_ =	swait.ge [sflag:s24], $0x4000  }
0xef: {  	[sflag:s24] =	ssyncset.done $0x0  }
0xf0: {  	s3 =	sadd.s32 $0x16E00, s29;
	[sflag:s24] =	ssyncadd.s32 $0xFFFFC000  }
0xf1: {  	[spmem:s2] =	stream.indirect.scatter.add.f32 [tilespmem:s23], [sflag:$0x3], $0x80, s3, s21, $0xb8;
	[tilespmem:$0x1FC80] =	vst v63  }
0xf2: {  	_ =	swait.ge [sflag:s18], $0x4000  }
0xf3: {  	[sflag:s18] =	ssyncset.done $0x0  }
0xf4: {  	s3 =	sadd.s32 $0x14700, s31;
	[sflag:s18] =	ssyncadd.s32 $0xFFFFC000  }
0xf5: {  	[tilespmem:s23], [sflag:$0x1] =	stream.indirect.gather [hbm4b:s1+s21], $0x80, s3, s21, $0xb8;
	[tilespmem:$0x1FC80] =	vst v63  }
0xf6: {  	_ =	swait.ge [sflag:s24], $0x4000  }
0xf7: {  	[sflag:s24] =	ssyncset.done $0x0  }
0xf8: {  	s3 =	sadd.s32 $0x16E80, s29;
	[sflag:s24] =	ssyncadd.s32 $0xFFFFC000  }
0xf9: {  	[spmem:s2] =	stream.indirect.scatter.add.f32 [tilespmem:s19], [sflag:$0x3], $0x80, s3, s21, $0xb8;
	[tilespmem:$0x1FC80] =	vst v63  }
0xfa: {  	_ =	swait.ge [sflag:s18], $0x4000  }
0xfb: {  	[sflag:s18] =	ssyncset.done $0x0  }
0xfc: {  	s3 =	sadd.s32 $0x14780, s31;
	[sflag:s18] =	ssyncadd.s32 $0xFFFFC000  }
0xfd: {  	[tilespmem:s19], [sflag:$0x1] =	stream.indirect.gather [hbm4b:s1+s21], $0x80, s3, s21, $0xb8;
	[tilespmem:$0x1FC80] =	vst v63  }
0xfe: {  	_ =	swait.ge [sflag:s24], $0x4000  }
0xff: {  	[sflag:s24] =	ssyncset.done $0x0  }
0x100: {  	s3 =	sadd.s32 $0x16F00, s29;
	[sflag:s24] =	ssyncadd.s32 $0xFFFFC000  }
0x101: {  	[spmem:s2] =	stream.indirect.scatter.add.f32 [tilespmem:s23], [sflag:$0x3], $0x80, s3, s21, $0xb8;
	[tilespmem:$0x1FC80] =	vst v63  }
0x102: {  	_ =	swait.ge [sflag:s18], $0x4000  }
0x103: {  	[sflag:s18] =	ssyncset.done $0x0  }
0x104: {  	s3 =	sadd.s32 $0x14800, s31;
	[sflag:s18] =	ssyncadd.s32 $0xFFFFC000  }
0x105: {  	[tilespmem:s23], [sflag:$0x1] =	stream.indirect.gather [hbm4b:s1+s21], $0x80, s3, s21, $0xb8;
	[tilespmem:$0x1FC80] =	vst v63  }
0x106: {  	_ =	swait.ge [sflag:s24], $0x4000  }
0x107: {  	[sflag:s24] =	ssyncset.done $0x0  }
0x108: {  	s3 =	sadd.s32 $0x16F80, s29;
	[sflag:s24] =	ssyncadd.s32 $0xFFFFC000  }
0x109: {  	[spmem:s2] =	stream.indirect.scatter.add.f32 [tilespmem:s19], [sflag:$0x3], $0x80, s3, s21, $0xb8;
	[tilespmem:$0x1FC80] =	vst v63  }
0x10a: {  	_ =	swait.ge [sflag:s18], $0x4000  }
0x10b: {  	[sflag:s18] =	ssyncset.done $0x0  }
0x10c: {  	s3 =	sadd.s32 $0x14880, s31;
	[sflag:s18] =	ssyncadd.s32 $0xFFFFC000  }
0x10d: {  	[tilespmem:s19], [sflag:$0x1] =	stream.indirect.gather [hbm4b:s1+s21], $0x80, s3, s21, $0xb8;
	[tilespmem:$0x1FC80] =	vst v63  }
0x10e: {  	_ =	swait.ge [sflag:s24], $0x4000  }
0x10f: {  	[sflag:s24] =	ssyncset.done $0x0  }
0x110: {  	s3 =	sor.u32 $0x17000, s29;
	[sflag:s24] =	ssyncadd.s32 $0xFFFFC000  }
0x111: {  	[spmem:s2] =	stream.indirect.scatter.add.f32 [tilespmem:s23], [sflag:$0x3], $0x80, s3, s21, $0xb8;
	[tilespmem:$0x1FC80] =	vst v63  }
0x112: {  	_ =	swait.ge [sflag:s18], $0x4000  }
0x113: {  	[sflag:s18] =	ssyncset.done $0x0  }
0x114: {  	s3 =	sadd.s32 $0x14900, s31;
	[sflag:s18] =	ssyncadd.s32 $0xFFFFC000  }
0x115: {  	[tilespmem:s23], [sflag:$0x1] =	stream.indirect.gather [hbm4b:s1+s21], $0x80, s3, s21, $0xb8;
	[tilespmem:$0x1FC80] =	vst v63  }
0x116: {  	_ =	swait.ge [sflag:s24], $0x4000  }
0x117: {  	[sflag:s24] =	ssyncset.done $0x0  }
0x118: {  	s3 =	sor.u32 $0x17080, s29;
	[sflag:s24] =	ssyncadd.s32 $0xFFFFC000  }
0x119: {  	[spmem:s2] =	stream.indirect.scatter.add.f32 [tilespmem:s19], [sflag:$0x3], $0x80, s3, s21, $0xb8;
	[tilespmem:$0x1FC80] =	vst v63  }
0x11a: {  	_ =	swait.ge [sflag:s18], $0x4000  }
0x11b: {  	[sflag:s18] =	ssyncset.done $0x0  }
0x11c: {  	s3 =	sadd.s32 $0x14980, s31;
	[sflag:s18] =	ssyncadd.s32 $0xFFFFC000  }
0x11d: {  	[tilespmem:s19], [sflag:$0x1] =	stream.indirect.gather [hbm4b:s1+s21], $0x80, s3, s21, $0xb8;
	[tilespmem:$0x1FC80] =	vst v63  }
0x11e: {  	_ =	swait.ge [sflag:s24], $0x4000  }
0x11f: {  	[sflag:s24] =	ssyncset.done $0x0  }
0x120: {  	s3 =	sor.u32 $0x17100, s29;
	[sflag:s24] =	ssyncadd.s32 $0xFFFFC000  }
0x121: {  	[spmem:s2] =	stream.indirect.scatter.add.f32 [tilespmem:s23], [sflag:$0x3], $0x80, s3, s21, $0xb8;
	[tilespmem:$0x1FC80] =	vst v63  }
0x122: {  	_ =	swait.ge [sflag:s18], $0x4000  }
0x123: {  	[sflag:s18] =	ssyncset.done $0x0  }
0x124: {  	s3 =	sadd.s32 $0x14A00, s31;
	[sflag:s18] =	ssyncadd.s32 $0xFFFFC000  }
0x125: {  	[tilespmem:s23], [sflag:$0x1] =	stream.indirect.gather [hbm4b:s1+s21], $0x80, s3, s21, $0xb8;
	[tilespmem:$0x1FC80] =	vst v63  }
0x126: {  	_ =	swait.ge [sflag:s24], $0x4000  }
0x127: {  	[sflag:s24] =	ssyncset.done $0x0  }
0x128: {  	s3 =	sor.u32 $0x17180, s29;
	[sflag:s24] =	ssyncadd.s32 $0xFFFFC000  }
0x129: {  	[spmem:s2] =	stream.indirect.scatter.add.f32 [tilespmem:s19], [sflag:$0x3], $0x80, s3, s21, $0xb8;
	[tilespmem:$0x1FC80] =	vst v63  }
0x12a: {  	_ =	swait.ge [sflag:s18], $0x4000  }
0x12b: {  	[sflag:s18] =	ssyncset.done $0x0  }
0x12c: {  	s3 =	sadd.s32 $0x14A80, s31;
	[sflag:s18] =	ssyncadd.s32 $0xFFFFC000  }
0x12d: {  	[tilespmem:s19], [sflag:$0x1] =	stream.indirect.gather [hbm4b:s1+s21], $0x80, s3, s21, $0xb8;
	[tilespmem:$0x1FC80] =	vst v63  }
0x12e: {  	_ =	swait.ge [sflag:s24], $0x4000  }
0x12f: {  	[sflag:s24] =	ssyncset.done $0x0  }
0x130: {  	s3 =	sor.u32 $0x17200, s29;
	[sflag:s24] =	ssyncadd.s32 $0xFFFFC000  }
0x131: {  	[spmem:s2] =	stream.indirect.scatter.add.f32 [tilespmem:s23], [sflag:$0x3], $0x80, s3, s21, $0xb8;
	[tilespmem:$0x1FC80] =	vst v63  }
0x132: {  	_ =	swait.ge [sflag:s18], $0x4000  }
0x133: {  	[sflag:s18] =	ssyncset.done $0x0  }
0x134: {  	s3 =	sadd.s32 $0x14B00, s31;
	[sflag:s18] =	ssyncadd.s32 $0xFFFFC000  }
0x135: {  	[tilespmem:s23], [sflag:$0x1] =	stream.indirect.gather [hbm4b:s1+s21], $0x80, s3, s21, $0xb8;
	[tilespmem:$0x1FC80] =	vst v63  }
0x136: {  	_ =	swait.ge [sflag:s24], $0x4000  }
0x137: {  	[sflag:s24] =	ssyncset.done $0x0  }
0x138: {  	s3 =	sor.u32 $0x17280, s29;
	[sflag:s24] =	ssyncadd.s32 $0xFFFFC000  }
0x139: {  	[spmem:s2] =	stream.indirect.scatter.add.f32 [tilespmem:s19], [sflag:$0x3], $0x80, s3, s21, $0xb8;
	[tilespmem:$0x1FC80] =	vst v63  }
0x13a: {  	_ =	swait.ge [sflag:s18], $0x4000  }
0x13b: {  	[sflag:s18] =	ssyncset.done $0x0  }
0x13c: {  	s3 =	sadd.s32 $0x14B80, s31;
	[sflag:s18] =	ssyncadd.s32 $0xFFFFC000  }
0x13d: {  	[tilespmem:s19], [sflag:$0x1] =	stream.indirect.gather [hbm4b:s1+s21], $0x80, s3, s21, $0xb8;
	[tilespmem:$0x1FC80] =	vst v63  }
0x13e: {  	_ =	swait.ge [sflag:s24], $0x4000  }
0x13f: {  	[sflag:s24] =	ssyncset.done $0x0  }
0x140: {  	s3 =	sor.u32 $0x17300, s29;
	[sflag:s24] =	ssyncadd.s32 $0xFFFFC000  }
0x141: {  	[spmem:s2] =	stream.indirect.scatter.add.f32 [tilespmem:s23], [sflag:$0x3], $0x80, s3, s21, $0xb8;
	[tilespmem:$0x1FC80] =	vst v63  }
0x142: {  	_ =	swait.ge [sflag:s18], $0x4000  }
0x143: {  	[sflag:s18] =	ssyncset.done $0x0  }
0x144: {  	s31 =	sadd.s32 $0x14C00, s31;
	[sflag:s18] =	ssyncadd.s32 $0xFFFFC000  }
0x145: {  	[tilespmem:s23], [sflag:$0x1] =	stream.indirect.gather [hbm4b:s1+s21], $0x80, s31, s21, $0xb8;
	[tilespmem:$0x1FC80] =	vst v63  }
0x146: {  	_ =	swait.ge [sflag:s24], $0x4000  }
0x147: {  	[sflag:s24] =	ssyncset.done $0x0  }
0x148: {  	s3 =	sor.u32 $0x17380, s29;
	[sflag:s24] =	ssyncadd.s32 $0xFFFFC000  }
0x149: {  	[spmem:s2] =	stream.indirect.scatter.add.f32 [tilespmem:s19], [sflag:$0x3], $0x80, s3, s21, $0xb8;
	[tilespmem:$0x1FC80] =	vst v63  }
0x14a: {  	_ =	swait.ge [sflag:s18], $0x4000  }
0x14b: {  	s28 =	sadd.s32 $0x2000, s28;
	[sflag:s18] =	ssyncset.done $0x0  }
0x14c: {  	s0 =	simm.s32 @!p2 $0x80;
	s3 =	simm.s32 @!p2 $0x17C80;
	[sflag:s18] =	ssyncadd.s32 $0xFFFFC000  }
0x14d: {  	[tilespmem:s3], [sflag:$0x1] =	stream.indirect.gather @!p2 [hbm4b:s1+s0], $0x80, s30, s0, $0xb8;
	[tilespmem:$0x1FC80] =	vst v63  }
0x14e: {  	p1 =	sne.s32 s28, $0xA000;
	_ =	swait.ge [sflag:s24], $0x4000  }
.Ltmp1:
0x14f: {  	[sflag:s24] =	ssyncset.done $0x0;
	(pc) =	sbr.rel @p1 .LBB2_4-.Ltmp1, $4  }
0x150: {  	s31 =	sadd.s32 $0x17400, s29;
	[sflag:s24] =	ssyncadd.s32 $0xFFFFC000  }
0x151: {  	[spmem:s2] =	stream.indirect.scatter.add.f32 [tilespmem:s23], [sflag:$0x3], $0x80, s31, s21, $0xb8;
	[tilespmem:$0x1FC80] =	vst v63  }
0x152: {  	_ =	swait.ge [sflag:s18], $0x4000  }
0x153: {  	[sflag:s18] =	ssyncset.done $0x0  }
0x154: {  	[sflag:s18] =	ssyncadd.s32 $0xFFFFC000;
	s0 =	sshll.u32 s4, $0x6  }
0x155: {  	s3 =	sshrl.u32 s6, $0x3;
	[bflag:$0x0] =	sbarrier.arrive $0xFFFF;
	s0 =	sor.u32 $0x1C03, s0  }
0x156: {  	[hbm:s14], [sflag:s0] =	dma.local [spmem:s3], $0x2700  }
0x157: {  	_ =	swait.ge [sflag:s18], $0x2700  }
0x158: {  	s25 =	sadd.s32 $0x1, s25;
	[sflag:s18] =	ssyncset.done $0x0  }
0x159: {  	p1 =	sne.s32 s25, s16;
	s3 =	sshrl.u32 @!p0 s12, $0x3;
	[sflag:s18] =	ssyncadd.s32 $0xFFFFD900  }
0x15a: {  	[hbm:s15], [sflag:s0] =	dma.local @!p0 [spmem:s3], $0x100  }
.Ltmp2:
0x15b: {  	_ = 	snop;
	(pc) =	sbr.rel @p1 .LBB2_1-.Ltmp2, $4  }
0x15c: {  	s0 =	simm.s32 @!p0 $0x3  }
0x15d: {  	_ =	swait.ge @!p0 [sflag:s0], $0x100  }
0x15e: {  	[sflag:s0] =	ssyncset.done @!p0 $0x0  }
0x15f: {  	[sflag:s0] =	ssyncadd.s32 @!p0 $0xFFFFFF00  }
0x160: {  	_ =	sfence.sel $0x180000  }
0x161: {  	[bflag:$0x0] =	sbarrier.arrive $0xFFFF  }
0x162: {  	_ =	strace $0x90000047  }
0x163: {  	[bflag:$0x2] =	sbarrier.arrive $0xFFFF  }
0x164: {  	s0 =	rddreg [dreg:$0x4]  }
0x165: {  	s0 =	sadd.s32 @!p0 $0x100000, s0  }
0x166: {  	[sflag:s0] =	ssyncadd.tile.s32 @!p0 $0x1;
	_ =	shalt  }
.Lfunc_end2:
_tile_overlayer_lowered:
.L_overlay_start_2:
0x167: {  	(tag) =	ssettag $0x2  }
0x168: {  	s0 =	rddreg [dreg:$0x0];
	s2 =	stileid.u32  }
0x169: {  	s1 =	rddreg [dreg:$0x1];
	p0 =	sne.s32 s2, $0x0  }
0x16a: {  	s3 =	rddreg [dreg:$0x2];
	[bflag:$0x3] =	sbarrier.arrive $0xFFFF;
	s2 =	simm.s32 @!p0 $0x1C03  }
0x16b: {  	[timem:s3], [sflag:s2] =	dma.local @!p0 [hbm:s0], s1  }
0x16c: {  	s0 =	simm.s32 @!p0 $0x3  }
0x16d: {  	_ =	swait.ge @!p0 [sflag:s0], s1  }
0x16e: {  	s1 =	ssub.s32 @!p0 $0x0, s1;
	[sflag:s0] =	ssyncset.done @!p0 $0x0  }
0x16f: {  	[sflag:s0] =	ssyncadd.s32 @!p0 s1  }
0x170: {  	[bflag:$0x3] =	sbarrier.arrive $0xFFFF  }
0x171: {  	_ =	shalt  }

</sc_bundles>
